<compile_context>
chip_gen: v7x
topology: tpu7x:2x2x1
jax: 0.10.2.dev20260603
libtpu: 0.0.44.dev20260713+nightly
codegen_flags: <defaults>
</compile_context>

<pallas_src>
import functools

import jax
import jax.numpy as jnp
from jax import lax
from jax.experimental import pallas as pl
from jax.experimental.pallas import tpu as pltpu
from jax.experimental.pallas import tpu_sc as plsc

_B, _L, _K, _D = 4096, 200, 4, 128
_NC, _NS = 2, 16
_NW = _NC * _NS
_SC_ROWS = 2048
_ROWS_W = _SC_ROWS // _NW
_NFULL = _L // 16
_TAIL = _L - 16
_NG = _D // 16
_TC_TB = 512

_DNUMS = lax.GatherDimensionNumbers(
    offset_dims=(), collapsed_slice_dims=(0,), start_index_map=(0,))


def _perm(x, idx):
    return lax.gather(x, idx[:, None], _DNUMS, (1,),
                      mode=lax.GatherScatterMode.PROMISE_IN_BOUNDS)


def _sc_body(reads_hbm, table_hbm, out_hbm, buf, tbl, obuf):
    wid = lax.axis_index("s") * _NC + lax.axis_index("c")
    base = wid * _ROWS_W
    pltpu.sync_copy(reads_hbm.at[pl.ds(base, _ROWS_W), :], buf)
    pltpu.sync_copy(table_hbm, tbl)

    lanes = lax.iota(jnp.int32, 16)
    mlow = lanes < 8
    zero = jnp.zeros((16,), jnp.int32)
    inv = jnp.float32(1.0 / _L)
    perm_idx = [lanes ^ sh for sh in (1, 2, 4, 8)]
    lb0 = lanes & 1
    lb1 = (lanes >> 1) & 1
    lut = lb0 + (lb1 << 8) + ((lb0 & lb1) << 16)
    t0v = [tbl[0, pl.ds(d * 16, 16)] for d in range(_NG)]
    dvec = [[(tbl[k, pl.ds(d * 16, 16)] - t0v[d]) * inv
             for d in range(_NG)] for k in range(1, _K)]

    def histogram(r):
        acc0 = zero
        acc1 = zero
        for k in range(0, _NFULL, 2):
            acc0 = acc0 + _perm(lut, buf[r, pl.ds(k * 16, 16)])
            acc1 = acc1 + _perm(lut, buf[r, pl.ds((k + 1) * 16, 16)])
        tail = _perm(lut, buf[r, pl.ds(_TAIL, 16)])
        acc = acc0 + acc1 + jnp.where(mlow, zero, tail)
        for pidx in perm_idx:
            acc = acc + _perm(acc, pidx)
        return acc

    def emit(r, acc):
        f3 = (acc >> 16).astype(jnp.float32)
        f1 = ((acc & 255).astype(jnp.float32)) - f3
        f2 = (((acc >> 8) & 255).astype(jnp.float32)) - f3
        for d in range(_NG):
            obuf[r, pl.ds(d * 16, 16)] = (
                t0v[d] + f1 * dvec[0][d] + f2 * dvec[1][d] + f3 * dvec[2][d])

    def pair_body(p, carry):
        r = 2 * p
        acc_a = histogram(r)
        acc_b = histogram(r + 1)
        emit(r, acc_a)
        emit(r + 1, acc_b)
        return carry

    lax.fori_loop(0, _ROWS_W // 2, pair_body, 0)
    pltpu.sync_copy(obuf, out_hbm.at[pl.ds(base, _ROWS_W), :])


def _tc_block(reads_ref, table_ref, out_ref, *, inv_len):
    r = reads_ref[...]
    b0 = (r & 1).astype(jnp.float32)
    b1 = (r >> 1).astype(jnp.float32)
    s0 = jnp.sum(b0, axis=1, keepdims=True)
    s1 = jnp.sum(b1, axis=1, keepdims=True)
    c3 = jnp.sum(b0 * b1, axis=1, keepdims=True)
    c1 = s0 - c3
    c2 = s1 - c3
    c0 = jnp.float32(r.shape[1]) - c1 - c2 - c3
    t = table_ref[...]
    acc = (c0 * t[0, :][None, :] + c1 * t[1, :][None, :]
           + c2 * t[2, :][None, :] + c3 * t[3, :][None, :])
    out_ref[...] = acc * inv_len


def kernel(reads, table):
    reads = reads.astype(jnp.int32)

    sc_run = functools.partial(
        pl.kernel,
        out_type=jax.ShapeDtypeStruct((_SC_ROWS, _D), jnp.float32),
        mesh=plsc.VectorSubcoreMesh(core_axis_name="c", subcore_axis_name="s"),
        scratch_types=[
            pltpu.VMEM((_ROWS_W, _L), jnp.int32),
            pltpu.VMEM((_K, _D), jnp.float32),
            pltpu.VMEM((_ROWS_W, _D), jnp.float32),
        ],
        compiler_params=pltpu.CompilerParams(use_tc_tiling_on_sc=True),
    )(_sc_body)
    out_sc = sc_run(reads[:_SC_ROWS], table)

    tc_rows = _B - _SC_ROWS
    out_tc = pl.pallas_call(
        functools.partial(_tc_block, inv_len=1.0 / _L),
        grid=(tc_rows // _TC_TB,),
        in_specs=[
            pl.BlockSpec((_TC_TB, _L), lambda i: (i, 0)),
            pl.BlockSpec((_K, _D), lambda i: (0, 0)),
        ],
        out_specs=pl.BlockSpec((_TC_TB, _D), lambda i: (i, 0)),
        out_shape=jax.ShapeDtypeStruct((tc_rows, _D), jnp.float32),
    )(reads[_SC_ROWS:], table)

    return jnp.concatenate([out_sc, out_tc], axis=0)

# --- scband reference (transcript-rebuilt; emitter-appended) ---
"""Pipeline reference for scband-sequence-encoder-no-cnn-74792560492621 (READ-ONLY COPY).

The authoritative reference and input builder live on the scoring server;
editing this copy changes nothing except your own understanding.
"""

import jax, jax.numpy as jnp
import numpy as np


def setup_inputs(seed: int = 0) -> dict:
    key = jax.random.key(seed)
    k1, k2 = jax.random.split(key)
    reads = jax.random.randint(k1, (4096, 200), 0, 4, dtype=jnp.int64)
    # nn.Embedding(4, dim_hidden) default init: N(0, 1)
    table = jax.random.normal(k2, (4, 128), dtype=jnp.float32)
    return {"reads": reads, "table": table}


def reference(reads, table):
    # Original module iterates over a dict of reads, embeds each read
    # (int indices in [0,4)) and takes the mean over the sequence dim,
    # then stacks. Equivalent batched form: gather + mean over axis=1.
    emb = jnp.take(table, reads, axis=0)  # [B, L, D]
    return jnp.mean(emb, axis=1)  # [B, D]

if __name__ == "__main__":
    import jax
    _d = setup_inputs()
    print(jax.jit(kernel)(*tuple(_d.values())))

</pallas_src>

<mosaic_0001>
#map = affine_map<(d0, d1) -> (0, 0)>
module attributes {stable_mosaic.version = 14 : i64} {
  func.func @_sc_body(%arg0: i32, %arg1: i32, %arg2: memref<2048x200xi32, #tpu.memory_space<hbm>>, %arg3: memref<4x128xf32, #tpu.memory_space<hbm>>, %arg4: memref<2048x128xf32, #tpu.memory_space<hbm>>, %arg5: memref<64x200xi32, #tpu.memory_space<vmem>>, %arg6: memref<4x128xf32, #tpu.memory_space<vmem>>, %arg7: memref<64x128xf32, #tpu.memory_space<vmem>>) attributes {dimension_semantics = [#tpu.dimension_semantics<core_parallel>, #tpu.dimension_semantics<subcore_parallel>], iteration_bounds = array<i64: 2, 16>, scalar_prefetch = 0 : i64, scratch_operands = 3 : i64, tpu.core_type = #tpu.core_type<sc_vector_subcore>, window_params = [{transform_indices = #map}, {transform_indices = #map}, {transform_indices = #map}]} {
    %mul3A = arith.constant 2 : i32
    %mul3A_0 = arith.muli %arg1, %mul3A : i32
    %add3A = arith.addi %mul3A_0, %arg0 : i32
    %mul3A_1 = arith.constant 64 : i32
    %mul3A_2 = arith.muli %add3A, %mul3A_1 : i32
    "tpu.region"() ({
      %run_scoped3A = tpu.sem_alloc : memref<!tpu.dma_semaphore, #tpu.memory_space<semaphore_mem>>
      %dma_start3A = arith.constant 0 : i32
      %dma_start3A_291 = tpu.memref_slice %arg2[%mul3A_2, %dma_start3A] : memref<2048x200xi32, #tpu.memory_space<hbm>> -> memref<64x200xi32, #tpu.memory_space<hbm>>
      %dma_start3A_292 = arith.constant 0 : i32
      %dma_start3A_293 = tpu.memref_slice %arg2[%mul3A_2, %dma_start3A_292] : memref<2048x200xi32, #tpu.memory_space<hbm>> -> memref<64x200xi32, #tpu.memory_space<hbm>>
      tpu.enqueue_dma source(%dma_start3A_293 : memref<64x200xi32, #tpu.memory_space<hbm>>) target(%arg5 : memref<64x200xi32, #tpu.memory_space<vmem>>) target_semaphore(%run_scoped3A : memref<!tpu.dma_semaphore, #tpu.memory_space<semaphore_mem>>)
      %dma_wait3A = arith.constant 0 : i32
      %dma_wait3A_294 = tpu.memref_slice %arg2[%mul3A_2, %dma_wait3A] : memref<2048x200xi32, #tpu.memory_space<hbm>> -> memref<64x200xi32, #tpu.memory_space<hbm>>
      %dma_wait3A_295 = arith.constant 0 : i32
      %dma_wait3A_296 = tpu.memref_slice %arg2[%mul3A_2, %dma_wait3A_295] : memref<2048x200xi32, #tpu.memory_space<hbm>> -> memref<64x200xi32, #tpu.memory_space<hbm>>
      tpu.wait_dma2 semaphore(%run_scoped3A : memref<!tpu.dma_semaphore, #tpu.memory_space<semaphore_mem>>) src(%dma_wait3A_296 : memref<64x200xi32, #tpu.memory_space<hbm>>) dst(%arg5 : memref<64x200xi32, #tpu.memory_space<vmem>>)
      tpu.yield
    }) : () -> ()
    "tpu.region"() ({
      %run_scoped3A = tpu.sem_alloc : memref<!tpu.dma_semaphore, #tpu.memory_space<semaphore_mem>>
      tpu.enqueue_dma source(%arg3 : memref<4x128xf32, #tpu.memory_space<hbm>>) target(%arg6 : memref<4x128xf32, #tpu.memory_space<vmem>>) target_semaphore(%run_scoped3A : memref<!tpu.dma_semaphore, #tpu.memory_space<semaphore_mem>>)
      tpu.wait_dma2 semaphore(%run_scoped3A : memref<!tpu.dma_semaphore, #tpu.memory_space<semaphore_mem>>) src(%arg3 : memref<4x128xf32, #tpu.memory_space<hbm>>) dst(%arg6 : memref<4x128xf32, #tpu.memory_space<vmem>>)
      tpu.yield
    }) : () -> ()
    %iota3A = tpu.iota {dimensions = array<i32: 0>} : vector<16xi32>
    %lt3A = arith.constant 8 : i32
    %lt3A_3 = vector.broadcast %lt3A : i32 to vector<16xi32>
    %lt3A_4 = arith.cmpi slt, %iota3A, %lt3A_3 : vector<16xi32>
    %broadcast_in_dim3A = arith.constant 0 : i32
    %broadcast_in_dim3A_5 = vector.broadcast %broadcast_in_dim3A : i32 to vector<16xi32>
    %xor3A = arith.constant 1 : i32
    %xor3A_6 = vector.broadcast %xor3A : i32 to vector<16xi32>
    %xor3A_7 = arith.xori %iota3A, %xor3A_6 : vector<16xi32>
    %xor3A_8 = arith.constant 2 : i32
    %xor3A_9 = vector.broadcast %xor3A_8 : i32 to vector<16xi32>
    %xor3A_10 = arith.xori %iota3A, %xor3A_9 : vector<16xi32>
    %xor3A_11 = arith.constant 4 : i32
    %xor3A_12 = vector.broadcast %xor3A_11 : i32 to vector<16xi32>
    %xor3A_13 = arith.xori %iota3A, %xor3A_12 : vector<16xi32>
    %xor3A_14 = arith.constant 8 : i32
    %xor3A_15 = vector.broadcast %xor3A_14 : i32 to vector<16xi32>
    %xor3A_16 = arith.xori %iota3A, %xor3A_15 : vector<16xi32>
    %and3A = arith.constant 1 : i32
    %and3A_17 = vector.broadcast %and3A : i32 to vector<16xi32>
    %and3A_18 = arith.andi %iota3A, %and3A_17 : vector<16xi32>
    %shift_right_arithmetic3A = arith.constant 1 : i32
    %shift_right_arithmetic3A_19 = vector.broadcast %shift_right_arithmetic3A : i32 to vector<16xi32>
    %shift_right_arithmetic3A_20 = arith.shrsi %iota3A, %shift_right_arithmetic3A_19 : vector<16xi32>
    %and3A_21 = arith.constant 1 : i32
    %and3A_22 = vector.broadcast %and3A_21 : i32 to vector<16xi32>
    %and3A_23 = arith.andi %shift_right_arithmetic3A_20, %and3A_22 : vector<16xi32>
    %shift_left3A = arith.constant 8 : i32
    %shift_left3A_24 = vector.broadcast %shift_left3A : i32 to vector<16xi32>
    %shift_left3A_25 = arith.shli %and3A_23, %shift_left3A_24 : vector<16xi32>
    %add3A_26 = arith.addi %and3A_18, %shift_left3A_25 : vector<16xi32>
    %and3A_27 = arith.andi %and3A_18, %and3A_23 : vector<16xi32>
    %shift_left3A_28 = arith.constant 16 : i32
    %shift_left3A_29 = vector.broadcast %shift_left3A_28 : i32 to vector<16xi32>
    %shift_left3A_30 = arith.shli %and3A_27, %shift_left3A_29 : vector<16xi32>
    %add3A_31 = arith.addi %add3A_26, %shift_left3A_30 : vector<16xi32>
    %get3A = arith.constant 0 : i32
    %get3A_32 = arith.index_cast %get3A : i32 to index
    %get3A_33 = arith.constant 0 : index
    %get3A_34 = tpu.vector_load %arg6[%get3A_32, %get3A_33] {strides = array<i32>} : memref<4x128xf32, #tpu.memory_space<vmem>>, vector<1x16xf32>,
    %get3A_35 = vector.shape_cast %get3A_34 : vector<1x16xf32> to vector<16xf32>
    %get3A_36 = arith.constant 0 : i32
    %get3A_37 = arith.index_cast %get3A_36 : i32 to index
    %get3A_38 = arith.constant 16 : index
    %get3A_39 = tpu.vector_load %arg6[%get3A_37, %get3A_38] {strides = array<i32>} : memref<4x128xf32, #tpu.memory_space<vmem>>, vector<1x16xf32>,
    %get3A_40 = vector.shape_cast %get3A_39 : vector<1x16xf32> to vector<16xf32>
    %get3A_41 = arith.constant 0 : i32
    %get3A_42 = arith.index_cast %get3A_41 : i32 to index
    %get3A_43 = arith.constant 32 : index
    %get3A_44 = tpu.vector_load %arg6[%get3A_42, %get3A_43] {strides = array<i32>} : memref<4x128xf32, #tpu.memory_space<vmem>>, vector<1x16xf32>,
    %get3A_45 = vector.shape_cast %get3A_44 : vector<1x16xf32> to vector<16xf32>
    %get3A_46 = arith.constant 0 : i32
    %get3A_47 = arith.index_cast %get3A_46 : i32 to index
    %get3A_48 = arith.constant 48 : index
    %get3A_49 = tpu.vector_load %arg6[%get3A_47, %get3A_48] {strides = array<i32>} : memref<4x128xf32, #tpu.memory_space<vmem>>, vector<1x16xf32>,
    %get3A_50 = vector.shape_cast %get3A_49 : vector<1x16xf32> to vector<16xf32>
    %get3A_51 = arith.constant 0 : i32
    %get3A_52 = arith.index_cast %get3A_51 : i32 to index
    %get3A_53 = arith.constant 64 : index
    %get3A_54 = tpu.vector_load %arg6[%get3A_52, %get3A_53] {strides = array<i32>} : memref<4x128xf32, #tpu.memory_space<vmem>>, vector<1x16xf32>,
    %get3A_55 = vector.shape_cast %get3A_54 : vector<1x16xf32> to vector<16xf32>
    %get3A_56 = arith.constant 0 : i32
    %get3A_57 = arith.index_cast %get3A_56 : i32 to index
    %get3A_58 = arith.constant 80 : index
    %get3A_59 = tpu.vector_load %arg6[%get3A_57, %get3A_58] {strides = array<i32>} : memref<4x128xf32, #tpu.memory_space<vmem>>, vector<1x16xf32>,
    %get3A_60 = vector.shape_cast %get3A_59 : vector<1x16xf32> to vector<16xf32>
    %get3A_61 = arith.constant 0 : i32
    %get3A_62 = arith.index_cast %get3A_61 : i32 to index
    %get3A_63 = arith.constant 96 : index
    %get3A_64 = tpu.vector_load %arg6[%get3A_62, %get3A_63] {strides = array<i32>} : memref<4x128xf32, #tpu.memory_space<vmem>>, vector<1x16xf32>,
    %get3A_65 = vector.shape_cast %get3A_64 : vector<1x16xf32> to vector<16xf32>
    %get3A_66 = arith.constant 0 : i32
    %get3A_67 = arith.index_cast %get3A_66 : i32 to index
    %get3A_68 = arith.constant 112 : index
    %get3A_69 = tpu.vector_load %arg6[%get3A_67, %get3A_68] {strides = array<i32>} : memref<4x128xf32, #tpu.memory_space<vmem>>, vector<1x16xf32>,
    %get3A_70 = vector.shape_cast %get3A_69 : vector<1x16xf32> to vector<16xf32>
    %get3A_71 = arith.constant 1 : i32
    %get3A_72 = arith.index_cast %get3A_71 : i32 to index
    %get3A_73 = arith.constant 0 : index
    %get3A_74 = tpu.vector_load %arg6[%get3A_72, %get3A_73] {strides = array<i32>} : memref<4x128xf32, #tpu.memory_space<vmem>>, vector<1x16xf32>,
    %get3A_75 = vector.shape_cast %get3A_74 : vector<1x16xf32> to vector<16xf32>
    %sub3A = arith.subf %get3A_75, %get3A_35 : vector<16xf32>
    %mul3A_76 = arith.constant 5.000000e-03 : f32
    %mul3A_77 = vector.broadcast %mul3A_76 : f32 to vector<16xf32>
    %mul3A_78 = arith.mulf %sub3A, %mul3A_77 : vector<16xf32>
    %get3A_79 = arith.constant 1 : i32
    %get3A_80 = arith.index_cast %get3A_79 : i32 to index
    %get3A_81 = arith.constant 16 : index
    %get3A_82 = tpu.vector_load %arg6[%get3A_80, %get3A_81] {strides = array<i32>} : memref<4x128xf32, #tpu.memory_space<vmem>>, vector<1x16xf32>,
    %get3A_83 = vector.shape_cast %get3A_82 : vector<1x16xf32> to vector<16xf32>
    %sub3A_84 = arith.subf %get3A_83, %get3A_40 : vector<16xf32>
    %mul3A_85 = arith.constant 5.000000e-03 : f32
    %mul3A_86 = vector.broadcast %mul3A_85 : f32 to vector<16xf32>
    %mul3A_87 = arith.mulf %sub3A_84, %mul3A_86 : vector<16xf32>
    %get3A_88 = arith.constant 1 : i32
    %get3A_89 = arith.index_cast %get3A_88 : i32 to index
    %get3A_90 = arith.constant 32 : index
    %get3A_91 = tpu.vector_load %arg6[%get3A_89, %get3A_90] {strides = array<i32>} : memref<4x128xf32, #tpu.memory_space<vmem>>, vector<1x16xf32>,
    %get3A_92 = vector.shape_cast %get3A_91 : vector<1x16xf32> to vector<16xf32>
    %sub3A_93 = arith.subf %get3A_92, %get3A_45 : vector<16xf32>
    %mul3A_94 = arith.constant 5.000000e-03 : f32
    %mul3A_95 = vector.broadcast %mul3A_94 : f32 to vector<16xf32>
    %mul3A_96 = arith.mulf %sub3A_93, %mul3A_95 : vector<16xf32>
    %get3A_97 = arith.constant 1 : i32
    %get3A_98 = arith.index_cast %get3A_97 : i32 to index
    %get3A_99 = arith.constant 48 : index
    %get3A_100 = tpu.vector_load %arg6[%get3A_98, %get3A_99] {strides = array<i32>} : memref<4x128xf32, #tpu.memory_space<vmem>>, vector<1x16xf32>,
    %get3A_101 = vector.shape_cast %get3A_100 : vector<1x16xf32> to vector<16xf32>
    %sub3A_102 = arith.subf %get3A_101, %get3A_50 : vector<16xf32>
    %mul3A_103 = arith.constant 5.000000e-03 : f32
    %mul3A_104 = vector.broadcast %mul3A_103 : f32 to vector<16xf32>
    %mul3A_105 = arith.mulf %sub3A_102, %mul3A_104 : vector<16xf32>
    %get3A_106 = arith.constant 1 : i32
    %get3A_107 = arith.index_cast %get3A_106 : i32 to index
    %get3A_108 = arith.constant 64 : index
    %get3A_109 = tpu.vector_load %arg6[%get3A_107, %get3A_108] {strides = array<i32>} : memref<4x128xf32, #tpu.memory_space<vmem>>, vector<1x16xf32>,
    %get3A_110 = vector.shape_cast %get3A_109 : vector<1x16xf32> to vector<16xf32>
    %sub3A_111 = arith.subf %get3A_110, %get3A_55 : vector<16xf32>
    %mul3A_112 = arith.constant 5.000000e-03 : f32
    %mul3A_113 = vector.broadcast %mul3A_112 : f32 to vector<16xf32>
    %mul3A_114 = arith.mulf %sub3A_111, %mul3A_113 : vector<16xf32>
    %get3A_115 = arith.constant 1 : i32
    %get3A_116 = arith.index_cast %get3A_115 : i32 to index
    %get3A_117 = arith.constant 80 : index
    %get3A_118 = tpu.vector_load %arg6[%get3A_116, %get3A_117] {strides = array<i32>} : memref<4x128xf32, #tpu.memory_space<vmem>>, vector<1x16xf32>,
    %get3A_119 = vector.shape_cast %get3A_118 : vector<1x16xf32> to vector<16xf32>
    %sub3A_120 = arith.subf %get3A_119, %get3A_60 : vector<16xf32>
    %mul3A_121 = arith.constant 5.000000e-03 : f32
    %mul3A_122 = vector.broadcast %mul3A_121 : f32 to vector<16xf32>
    %mul3A_123 = arith.mulf %sub3A_120, %mul3A_122 : vector<16xf32>
    %get3A_124 = arith.constant 1 : i32
    %get3A_125 = arith.index_cast %get3A_124 : i32 to index
    %get3A_126 = arith.constant 96 : index
    %get3A_127 = tpu.vector_load %arg6[%get3A_125, %get3A_126] {strides = array<i32>} : memref<4x128xf32, #tpu.memory_space<vmem>>, vector<1x16xf32>,
    %get3A_128 = vector.shape_cast %get3A_127 : vector<1x16xf32> to vector<16xf32>
    %sub3A_129 = arith.subf %get3A_128, %get3A_65 : vector<16xf32>
    %mul3A_130 = arith.constant 5.000000e-03 : f32
    %mul3A_131 = vector.broadcast %mul3A_130 : f32 to vector<16xf32>
    %mul3A_132 = arith.mulf %sub3A_129, %mul3A_131 : vector<16xf32>
    %get3A_133 = arith.constant 1 : i32
    %get3A_134 = arith.index_cast %get3A_133 : i32 to index
    %get3A_135 = arith.constant 112 : index
    %get3A_136 = tpu.vector_load %arg6[%get3A_134, %get3A_135] {strides = array<i32>} : memref<4x128xf32, #tpu.memory_space<vmem>>, vector<1x16xf32>,
    %get3A_137 = vector.shape_cast %get3A_136 : vector<1x16xf32> to vector<16xf32>
    %sub3A_138 = arith.subf %get3A_137, %get3A_70 : vector<16xf32>
    %mul3A_139 = arith.constant 5.000000e-03 : f32
    %mul3A_140 = vector.broadcast %mul3A_139 : f32 to vector<16xf32>
    %mul3A_141 = arith.mulf %sub3A_138, %mul3A_140 : vector<16xf32>
    %get3A_142 = arith.constant 2 : i32
    %get3A_143 = arith.index_cast %get3A_142 : i32 to index
    %get3A_144 = arith.constant 0 : index
    %get3A_145 = tpu.vector_load %arg6[%get3A_143, %get3A_144] {strides = array<i32>} : memref<4x128xf32, #tpu.memory_space<vmem>>, vector<1x16xf32>,
    %get3A_146 = vector.shape_cast %get3A_145 : vector<1x16xf32> to vector<16xf32>
    %sub3A_147 = arith.subf %get3A_146, %get3A_35 : vector<16xf32>
    %mul3A_148 = arith.constant 5.000000e-03 : f32
    %mul3A_149 = vector.broadcast %mul3A_148 : f32 to vector<16xf32>
    %mul3A_150 = arith.mulf %sub3A_147, %mul3A_149 : vector<16xf32>
    %get3A_151 = arith.constant 2 : i32
    %get3A_152 = arith.index_cast %get3A_151 : i32 to index
    %get3A_153 = arith.constant 16 : index
    %get3A_154 = tpu.vector_load %arg6[%get3A_152, %get3A_153] {strides = array<i32>} : memref<4x128xf32, #tpu.memory_space<vmem>>, vector<1x16xf32>,
    %get3A_155 = vector.shape_cast %get3A_154 : vector<1x16xf32> to vector<16xf32>
    %sub3A_156 = arith.subf %get3A_155, %get3A_40 : vector<16xf32>
    %mul3A_157 = arith.constant 5.000000e-03 : f32
    %mul3A_158 = vector.broadcast %mul3A_157 : f32 to vector<16xf32>
    %mul3A_159 = arith.mulf %sub3A_156, %mul3A_158 : vector<16xf32>
    %get3A_160 = arith.constant 2 : i32
    %get3A_161 = arith.index_cast %get3A_160 : i32 to index
    %get3A_162 = arith.constant 32 : index
    %get3A_163 = tpu.vector_load %arg6[%get3A_161, %get3A_162] {strides = array<i32>} : memref<4x128xf32, #tpu.memory_space<vmem>>, vector<1x16xf32>,
    %get3A_164 = vector.shape_cast %get3A_163 : vector<1x16xf32> to vector<16xf32>
    %sub3A_165 = arith.subf %get3A_164, %get3A_45 : vector<16xf32>
    %mul3A_166 = arith.constant 5.000000e-03 : f32
    %mul3A_167 = vector.broadcast %mul3A_166 : f32 to vector<16xf32>
    %mul3A_168 = arith.mulf %sub3A_165, %mul3A_167 : vector<16xf32>
    %get3A_169 = arith.constant 2 : i32
    %get3A_170 = arith.index_cast %get3A_169 : i32 to index
    %get3A_171 = arith.constant 48 : index
    %get3A_172 = tpu.vector_load %arg6[%get3A_170, %get3A_171] {strides = array<i32>} : memref<4x128xf32, #tpu.memory_space<vmem>>, vector<1x16xf32>,
    %get3A_173 = vector.shape_cast %get3A_172 : vector<1x16xf32> to vector<16xf32>
    %sub3A_174 = arith.subf %get3A_173, %get3A_50 : vector<16xf32>
    %mul3A_175 = arith.constant 5.000000e-03 : f32
    %mul3A_176 = vector.broadcast %mul3A_175 : f32 to vector<16xf32>
    %mul3A_177 = arith.mulf %sub3A_174, %mul3A_176 : vector<16xf32>
    %get3A_178 = arith.constant 2 : i32
    %get3A_179 = arith.index_cast %get3A_178 : i32 to index
    %get3A_180 = arith.constant 64 : index
    %get3A_181 = tpu.vector_load %arg6[%get3A_179, %get3A_180] {strides = array<i32>} : memref<4x128xf32, #tpu.memory_space<vmem>>, vector<1x16xf32>,
    %get3A_182 = vector.shape_cast %get3A_181 : vector<1x16xf32> to vector<16xf32>
    %sub3A_183 = arith.subf %get3A_182, %get3A_55 : vector<16xf32>
    %mul3A_184 = arith.constant 5.000000e-03 : f32
    %mul3A_185 = vector.broadcast %mul3A_184 : f32 to vector<16xf32>
    %mul3A_186 = arith.mulf %sub3A_183, %mul3A_185 : vector<16xf32>
    %get3A_187 = arith.constant 2 : i32
    %get3A_188 = arith.index_cast %get3A_187 : i32 to index
    %get3A_189 = arith.constant 80 : index
    %get3A_190 = tpu.vector_load %arg6[%get3A_188, %get3A_189] {strides = array<i32>} : memref<4x128xf32, #tpu.memory_space<vmem>>, vector<1x16xf32>,
    %get3A_191 = vector.shape_cast %get3A_190 : vector<1x16xf32> to vector<16xf32>
    %sub3A_192 = arith.subf %get3A_191, %get3A_60 : vector<16xf32>
    %mul3A_193 = arith.constant 5.000000e-03 : f32
    %mul3A_194 = vector.broadcast %mul3A_193 : f32 to vector<16xf32>
    %mul3A_195 = arith.mulf %sub3A_192, %mul3A_194 : vector<16xf32>
    %get3A_196 = arith.constant 2 : i32
    %get3A_197 = arith.index_cast %get3A_196 : i32 to index
    %get3A_198 = arith.constant 96 : index
    %get3A_199 = tpu.vector_load %arg6[%get3A_197, %get3A_198] {strides = array<i32>} : memref<4x128xf32, #tpu.memory_space<vmem>>, vector<1x16xf32>,
    %get3A_200 = vector.shape_cast %get3A_199 : vector<1x16xf32> to vector<16xf32>
    %sub3A_201 = arith.subf %get3A_200, %get3A_65 : vector<16xf32>
    %mul3A_202 = arith.constant 5.000000e-03 : f32
    %mul3A_203 = vector.broadcast %mul3A_202 : f32 to vector<16xf32>
    %mul3A_204 = arith.mulf %sub3A_201, %mul3A_203 : vector<16xf32>
    %get3A_205 = arith.constant 2 : i32
    %get3A_206 = arith.index_cast %get3A_205 : i32 to index
    %get3A_207 = arith.constant 112 : index
    %get3A_208 = tpu.vector_load %arg6[%get3A_206, %get3A_207] {strides = array<i32>} : memref<4x128xf32, #tpu.memory_space<vmem>>, vector<1x16xf32>,
    %get3A_209 = vector.shape_cast %get3A_208 : vector<1x16xf32> to vector<16xf32>
    %sub3A_210 = arith.subf %get3A_209, %get3A_70 : vector<16xf32>
    %mul3A_211 = arith.constant 5.000000e-03 : f32
    %mul3A_212 = vector.broadcast %mul3A_211 : f32 to vector<16xf32>
    %mul3A_213 = arith.mulf %sub3A_210, %mul3A_212 : vector<16xf32>
    %get3A_214 = arith.constant 3 : i32
    %get3A_215 = arith.index_cast %get3A_214 : i32 to index
    %get3A_216 = arith.constant 0 : index
    %get3A_217 = tpu.vector_load %arg6[%get3A_215, %get3A_216] {strides = array<i32>} : memref<4x128xf32, #tpu.memory_space<vmem>>, vector<1x16xf32>,
    %get3A_218 = vector.shape_cast %get3A_217 : vector<1x16xf32> to vector<16xf32>
    %sub3A_219 = arith.subf %get3A_218, %get3A_35 : vector<16xf32>
    %mul3A_220 = arith.constant 5.000000e-03 : f32
    %mul3A_221 = vector.broadcast %mul3A_220 : f32 to vector<16xf32>
    %mul3A_222 = arith.mulf %sub3A_219, %mul3A_221 : vector<16xf32>
    %get3A_223 = arith.constant 3 : i32
    %get3A_224 = arith.index_cast %get3A_223 : i32 to index
    %get3A_225 = arith.constant 16 : index
    %get3A_226 = tpu.vector_load %arg6[%get3A_224, %get3A_225] {strides = array<i32>} : memref<4x128xf32, #tpu.memory_space<vmem>>, vector<1x16xf32>,
    %get3A_227 = vector.shape_cast %get3A_226 : vector<1x16xf32> to vector<16xf32>
    %sub3A_228 = arith.subf %get3A_227, %get3A_40 : vector<16xf32>
    %mul3A_229 = arith.constant 5.000000e-03 : f32
    %mul3A_230 = vector.broadcast %mul3A_229 : f32 to vector<16xf32>
    %mul3A_231 = arith.mulf %sub3A_228, %mul3A_230 : vector<16xf32>
    %get3A_232 = arith.constant 3 : i32
    %get3A_233 = arith.index_cast %get3A_232 : i32 to index
    %get3A_234 = arith.constant 32 : index
    %get3A_235 = tpu.vector_load %arg6[%get3A_233, %get3A_234] {strides = array<i32>} : memref<4x128xf32, #tpu.memory_space<vmem>>, vector<1x16xf32>,
    %get3A_236 = vector.shape_cast %get3A_235 : vector<1x16xf32> to vector<16xf32>
    %sub3A_237 = arith.subf %get3A_236, %get3A_45 : vector<16xf32>
    %mul3A_238 = arith.constant 5.000000e-03 : f32
    %mul3A_239 = vector.broadcast %mul3A_238 : f32 to vector<16xf32>
    %mul3A_240 = arith.mulf %sub3A_237, %mul3A_239 : vector<16xf32>
    %get3A_241 = arith.constant 3 : i32
    %get3A_242 = arith.index_cast %get3A_241 : i32 to index
    %get3A_243 = arith.constant 48 : index
    %get3A_244 = tpu.vector_load %arg6[%get3A_242, %get3A_243] {strides = array<i32>} : memref<4x128xf32, #tpu.memory_space<vmem>>, vector<1x16xf32>,
    %get3A_245 = vector.shape_cast %get3A_244 : vector<1x16xf32> to vector<16xf32>
    %sub3A_246 = arith.subf %get3A_245, %get3A_50 : vector<16xf32>
    %mul3A_247 = arith.constant 5.000000e-03 : f32
    %mul3A_248 = vector.broadcast %mul3A_247 : f32 to vector<16xf32>
    %mul3A_249 = arith.mulf %sub3A_246, %mul3A_248 : vector<16xf32>
    %get3A_250 = arith.constant 3 : i32
    %get3A_251 = arith.index_cast %get3A_250 : i32 to index
    %get3A_252 = arith.constant 64 : index
    %get3A_253 = tpu.vector_load %arg6[%get3A_251, %get3A_252] {strides = array<i32>} : memref<4x128xf32, #tpu.memory_space<vmem>>, vector<1x16xf32>,
    %get3A_254 = vector.shape_cast %get3A_253 : vector<1x16xf32> to vector<16xf32>
    %sub3A_255 = arith.subf %get3A_254, %get3A_55 : vector<16xf32>
    %mul3A_256 = arith.constant 5.000000e-03 : f32
    %mul3A_257 = vector.broadcast %mul3A_256 : f32 to vector<16xf32>
    %mul3A_258 = arith.mulf %sub3A_255, %mul3A_257 : vector<16xf32>
    %get3A_259 = arith.constant 3 : i32
    %get3A_260 = arith.index_cast %get3A_259 : i32 to index
    %get3A_261 = arith.constant 80 : index
    %get3A_262 = tpu.vector_load %arg6[%get3A_260, %get3A_261] {strides = array<i32>} : memref<4x128xf32, #tpu.memory_space<vmem>>, vector<1x16xf32>,
    %get3A_263 = vector.shape_cast %get3A_262 : vector<1x16xf32> to vector<16xf32>
    %sub3A_264 = arith.subf %get3A_263, %get3A_60 : vector<16xf32>
    %mul3A_265 = arith.constant 5.000000e-03 : f32
    %mul3A_266 = vector.broadcast %mul3A_265 : f32 to vector<16xf32>
    %mul3A_267 = arith.mulf %sub3A_264, %mul3A_266 : vector<16xf32>
    %get3A_268 = arith.constant 3 : i32
    %get3A_269 = arith.index_cast %get3A_268 : i32 to index
    %get3A_270 = arith.constant 96 : index
    %get3A_271 = tpu.vector_load %arg6[%get3A_269, %get3A_270] {strides = array<i32>} : memref<4x128xf32, #tpu.memory_space<vmem>>, vector<1x16xf32>,
    %get3A_272 = vector.shape_cast %get3A_271 : vector<1x16xf32> to vector<16xf32>
    %sub3A_273 = arith.subf %get3A_272, %get3A_65 : vector<16xf32>
    %mul3A_274 = arith.constant 5.000000e-03 : f32
    %mul3A_275 = vector.broadcast %mul3A_274 : f32 to vector<16xf32>
    %mul3A_276 = arith.mulf %sub3A_273, %mul3A_275 : vector<16xf32>
    %get3A_277 = arith.constant 3 : i32
    %get3A_278 = arith.index_cast %get3A_277 : i32 to index
    %get3A_279 = arith.constant 112 : index
    %get3A_280 = tpu.vector_load %arg6[%get3A_278, %get3A_279] {strides = array<i32>} : memref<4x128xf32, #tpu.memory_space<vmem>>, vector<1x16xf32>,
    %get3A_281 = vector.shape_cast %get3A_280 : vector<1x16xf32> to vector<16xf32>
    %sub3A_282 = arith.subf %get3A_281, %get3A_70 : vector<16xf32>
    %mul3A_283 = arith.constant 5.000000e-03 : f32
    %mul3A_284 = vector.broadcast %mul3A_283 : f32 to vector<16xf32>
    %mul3A_285 = arith.mulf %sub3A_282, %mul3A_284 : vector<16xf32>
    %scan3A = arith.constant 0 : i32
    %scan3A_286 = arith.constant 0 : i32
    %scan3A_287 = arith.constant 32 : i32
    %scan3A_288 = arith.addi %scan3A_286, %scan3A_287 : i32
    %scan3A_289 = arith.constant 1 : i32
    scf.for %scan3A_291 = %scan3A_286 to %scan3A_288 step %scan3A_289  : i32 {
      %mul3A_292 = arith.constant 2 : i32
      %mul3A_293 = arith.muli %mul3A_292, %scan3A_291 : i32
      %get3A_294 = arith.index_cast %mul3A_293 : i32 to index
      %get3A_295 = arith.constant 0 : index
      %get3A_296 = tpu.vector_load %arg5[%get3A_294, %get3A_295] {strides = array<i32>} : memref<64x200xi32, #tpu.memory_space<vmem>>, vector<1x16xi32>,
      %get3A_297 = vector.shape_cast %get3A_296 : vector<1x16xi32> to vector<16xi32>
      %broadcast_in_dim3A_298 = vector.shape_cast %get3A_297 : vector<16xi32> to vector<16x1xi32>
      %gather3A = vector.shape_cast %broadcast_in_dim3A_298 : vector<16x1xi32> to vector<16xi32>
      %gather3A_299 = tpu.dynamic_gather %add3A_31[%gather3A] in [0] : vector<16xi32>, vector<16xi32> -> vector<16xi32>
      %add3A_300 = arith.addi %broadcast_in_dim3A_5, %gather3A_299 : vector<16xi32>
      %get3A_301 = arith.index_cast %mul3A_293 : i32 to index
      %get3A_302 = arith.constant 16 : index
      %get3A_303 = tpu.vector_load %arg5[%get3A_301, %get3A_302] {strides = array<i32>} : memref<64x200xi32, #tpu.memory_space<vmem>>, vector<1x16xi32>,
      %get3A_304 = vector.shape_cast %get3A_303 : vector<1x16xi32> to vector<16xi32>
      %broadcast_in_dim3A_305 = vector.shape_cast %get3A_304 : vector<16xi32> to vector<16x1xi32>
      %gather3A_306 = vector.shape_cast %broadcast_in_dim3A_305 : vector<16x1xi32> to vector<16xi32>
      %gather3A_307 = tpu.dynamic_gather %add3A_31[%gather3A_306] in [0] : vector<16xi32>, vector<16xi32> -> vector<16xi32>
      %add3A_308 = arith.addi %broadcast_in_dim3A_5, %gather3A_307 : vector<16xi32>
      %get3A_309 = arith.index_cast %mul3A_293 : i32 to index
      %get3A_310 = arith.constant 32 : index
      %get3A_311 = tpu.vector_load %arg5[%get3A_309, %get3A_310] {strides = array<i32>} : memref<64x200xi32, #tpu.memory_space<vmem>>, vector<1x16xi32>,
      %get3A_312 = vector.shape_cast %get3A_311 : vector<1x16xi32> to vector<16xi32>
      %broadcast_in_dim3A_313 = vector.shape_cast %get3A_312 : vector<16xi32> to vector<16x1xi32>
      %gather3A_314 = vector.shape_cast %broadcast_in_dim3A_313 : vector<16x1xi32> to vector<16xi32>
      %gather3A_315 = tpu.dynamic_gather %add3A_31[%gather3A_314] in [0] : vector<16xi32>, vector<16xi32> -> vector<16xi32>
      %add3A_316 = arith.addi %add3A_300, %gather3A_315 : vector<16xi32>
      %get3A_317 = arith.index_cast %mul3A_293 : i32 to index
      %get3A_318 = arith.constant 48 : index
      %get3A_319 = tpu.vector_load %arg5[%get3A_317, %get3A_318] {strides = array<i32>} : memref<64x200xi32, #tpu.memory_space<vmem>>, vector<1x16xi32>,
      %get3A_320 = vector.shape_cast %get3A_319 : vector<1x16xi32> to vector<16xi32>
      %broadcast_in_dim3A_321 = vector.shape_cast %get3A_320 : vector<16xi32> to vector<16x1xi32>
      %gather3A_322 = vector.shape_cast %broadcast_in_dim3A_321 : vector<16x1xi32> to vector<16xi32>
      %gather3A_323 = tpu.dynamic_gather %add3A_31[%gather3A_322] in [0] : vector<16xi32>, vector<16xi32> -> vector<16xi32>
      %add3A_324 = arith.addi %add3A_308, %gather3A_323 : vector<16xi32>
      %get3A_325 = arith.index_cast %mul3A_293 : i32 to index
      %get3A_326 = arith.constant 64 : index
      %get3A_327 = tpu.vector_load %arg5[%get3A_325, %get3A_326] {strides = array<i32>} : memref<64x200xi32, #tpu.memory_space<vmem>>, vector<1x16xi32>,
      %get3A_328 = vector.shape_cast %get3A_327 : vector<1x16xi32> to vector<16xi32>
      %broadcast_in_dim3A_329 = vector.shape_cast %get3A_328 : vector<16xi32> to vector<16x1xi32>
      %gather3A_330 = vector.shape_cast %broadcast_in_dim3A_329 : vector<16x1xi32> to vector<16xi32>
      %gather3A_331 = tpu.dynamic_gather %add3A_31[%gather3A_330] in [0] : vector<16xi32>, vector<16xi32> -> vector<16xi32>
      %add3A_332 = arith.addi %add3A_316, %gather3A_331 : vector<16xi32>
      %get3A_333 = arith.index_cast %mul3A_293 : i32 to index
      %get3A_334 = arith.constant 80 : index
      %get3A_335 = tpu.vector_load %arg5[%get3A_333, %get3A_334] {strides = array<i32>} : memref<64x200xi32, #tpu.memory_space<vmem>>, vector<1x16xi32>,
      %get3A_336 = vector.shape_cast %get3A_335 : vector<1x16xi32> to vector<16xi32>
      %broadcast_in_dim3A_337 = vector.shape_cast %get3A_336 : vector<16xi32> to vector<16x1xi32>
      %gather3A_338 = vector.shape_cast %broadcast_in_dim3A_337 : vector<16x1xi32> to vector<16xi32>
      %gather3A_339 = tpu.dynamic_gather %add3A_31[%gather3A_338] in [0] : vector<16xi32>, vector<16xi32> -> vector<16xi32>
      %add3A_340 = arith.addi %add3A_324, %gather3A_339 : vector<16xi32>
      %get3A_341 = arith.index_cast %mul3A_293 : i32 to index
      %get3A_342 = arith.constant 96 : index
      %get3A_343 = tpu.vector_load %arg5[%get3A_341, %get3A_342] {strides = array<i32>} : memref<64x200xi32, #tpu.memory_space<vmem>>, vector<1x16xi32>,
      %get3A_344 = vector.shape_cast %get3A_343 : vector<1x16xi32> to vector<16xi32>
      %broadcast_in_dim3A_345 = vector.shape_cast %get3A_344 : vector<16xi32> to vector<16x1xi32>
      %gather3A_346 = vector.shape_cast %broadcast_in_dim3A_345 : vector<16x1xi32> to vector<16xi32>
      %gather3A_347 = tpu.dynamic_gather %add3A_31[%gather3A_346] in [0] : vector<16xi32>, vector<16xi32> -> vector<16xi32>
      %add3A_348 = arith.addi %add3A_332, %gather3A_347 : vector<16xi32>
      %get3A_349 = arith.index_cast %mul3A_293 : i32 to index
      %get3A_350 = arith.constant 112 : index
      %get3A_351 = tpu.vector_load %arg5[%get3A_349, %get3A_350] {strides = array<i32>} : memref<64x200xi32, #tpu.memory_space<vmem>>, vector<1x16xi32>,
      %get3A_352 = vector.shape_cast %get3A_351 : vector<1x16xi32> to vector<16xi32>
      %broadcast_in_dim3A_353 = vector.shape_cast %get3A_352 : vector<16xi32> to vector<16x1xi32>
      %gather3A_354 = vector.shape_cast %broadcast_in_dim3A_353 : vector<16x1xi32> to vector<16xi32>
      %gather3A_355 = tpu.dynamic_gather %add3A_31[%gather3A_354] in [0] : vector<16xi32>, vector<16xi32> -> vector<16xi32>
      %add3A_356 = arith.addi %add3A_340, %gather3A_355 : vector<16xi32>
      %get3A_357 = arith.index_cast %mul3A_293 : i32 to index
      %get3A_358 = arith.constant 128 : index
      %get3A_359 = tpu.vector_load %arg5[%get3A_357, %get3A_358] {strides = array<i32>} : memref<64x200xi32, #tpu.memory_space<vmem>>, vector<1x16xi32>,
      %get3A_360 = vector.shape_cast %get3A_359 : vector<1x16xi32> to vector<16xi32>
      %broadcast_in_dim3A_361 = vector.shape_cast %get3A_360 : vector<16xi32> to vector<16x1xi32>
      %gather3A_362 = vector.shape_cast %broadcast_in_dim3A_361 : vector<16x1xi32> to vector<16xi32>
      %gather3A_363 = tpu.dynamic_gather %add3A_31[%gather3A_362] in [0] : vector<16xi32>, vector<16xi32> -> vector<16xi32>
      %add3A_364 = arith.addi %add3A_348, %gather3A_363 : vector<16xi32>
      %get3A_365 = arith.index_cast %mul3A_293 : i32 to index
      %get3A_366 = arith.constant 144 : index
      %get3A_367 = tpu.vector_load %arg5[%get3A_365, %get3A_366] {strides = array<i32>} : memref<64x200xi32, #tpu.memory_space<vmem>>, vector<1x16xi32>,
      %get3A_368 = vector.shape_cast %get3A_367 : vector<1x16xi32> to vector<16xi32>
      %broadcast_in_dim3A_369 = vector.shape_cast %get3A_368 : vector<16xi32> to vector<16x1xi32>
      %gather3A_370 = vector.shape_cast %broadcast_in_dim3A_369 : vector<16x1xi32> to vector<16xi32>
      %gather3A_371 = tpu.dynamic_gather %add3A_31[%gather3A_370] in [0] : vector<16xi32>, vector<16xi32> -> vector<16xi32>
      %add3A_372 = arith.addi %add3A_356, %gather3A_371 : vector<16xi32>
      %get3A_373 = arith.index_cast %mul3A_293 : i32 to index
      %get3A_374 = arith.constant 160 : index
      %get3A_375 = tpu.vector_load %arg5[%get3A_373, %get3A_374] {strides = array<i32>} : memref<64x200xi32, #tpu.memory_space<vmem>>, vector<1x16xi32>,
      %get3A_376 = vector.shape_cast %get3A_375 : vector<1x16xi32> to vector<16xi32>
      %broadcast_in_dim3A_377 = vector.shape_cast %get3A_376 : vector<16xi32> to vector<16x1xi32>
      %gather3A_378 = vector.shape_cast %broadcast_in_dim3A_377 : vector<16x1xi32> to vector<16xi32>
      %gather3A_379 = tpu.dynamic_gather %add3A_31[%gather3A_378] in [0] : vector<16xi32>, vector<16xi32> -> vector<16xi32>
      %add3A_380 = arith.addi %add3A_364, %gather3A_379 : vector<16xi32>
      %get3A_381 = arith.index_cast %mul3A_293 : i32 to index
      %get3A_382 = arith.constant 176 : index
      %get3A_383 = tpu.vector_load %arg5[%get3A_381, %get3A_382] {strides = array<i32>} : memref<64x200xi32, #tpu.memory_space<vmem>>, vector<1x16xi32>,
      %get3A_384 = vector.shape_cast %get3A_383 : vector<1x16xi32> to vector<16xi32>
      %broadcast_in_dim3A_385 = vector.shape_cast %get3A_384 : vector<16xi32> to vector<16x1xi32>
      %gather3A_386 = vector.shape_cast %broadcast_in_dim3A_385 : vector<16x1xi32> to vector<16xi32>
      %gather3A_387 = tpu.dynamic_gather %add3A_31[%gather3A_386] in [0] : vector<16xi32>, vector<16xi32> -> vector<16xi32>
      %add3A_388 = arith.addi %add3A_372, %gather3A_387 : vector<16xi32>
      %get3A_389 = arith.index_cast %mul3A_293 : i32 to index
      %get3A_390 = arith.constant 184 : index
      %get3A_391 = tpu.vector_load %arg5[%get3A_389, %get3A_390] {strides = array<i32>} : memref<64x200xi32, #tpu.memory_space<vmem>>, vector<1x16xi32>,
      %get3A_392 = vector.shape_cast %get3A_391 : vector<1x16xi32> to vector<16xi32>
      %broadcast_in_dim3A_393 = vector.shape_cast %get3A_392 : vector<16xi32> to vector<16x1xi32>
      %gather3A_394 = vector.shape_cast %broadcast_in_dim3A_393 : vector<16x1xi32> to vector<16xi32>
      %gather3A_395 = tpu.dynamic_gather %add3A_31[%gather3A_394] in [0] : vector<16xi32>, vector<16xi32> -> vector<16xi32>
      %add3A_396 = arith.addi %add3A_380, %add3A_388 : vector<16xi32>
      %select_n3A = arith.select %lt3A_4, %broadcast_in_dim3A_5, %gather3A_395 : vector<16xi1>, vector<16xi32>
      %add3A_397 = arith.addi %add3A_396, %select_n3A : vector<16xi32>
      %broadcast_in_dim3A_398 = vector.shape_cast %xor3A_7 : vector<16xi32> to vector<16x1xi32>
      %gather3A_399 = vector.shape_cast %broadcast_in_dim3A_398 : vector<16x1xi32> to vector<16xi32>
      %gather3A_400 = tpu.dynamic_gather %add3A_397[%gather3A_399] in [0] : vector<16xi32>, vector<16xi32> -> vector<16xi32>
      %add3A_401 = arith.addi %add3A_397, %gather3A_400 : vector<16xi32>
      %broadcast_in_dim3A_402 = vector.shape_cast %xor3A_10 : vector<16xi32> to vector<16x1xi32>
      %gather3A_403 = vector.shape_cast %broadcast_in_dim3A_402 : vector<16x1xi32> to vector<16xi32>
      %gather3A_404 = tpu.dynamic_gather %add3A_401[%gather3A_403] in [0] : vector<16xi32>, vector<16xi32> -> vector<16xi32>
      %add3A_405 = arith.addi %add3A_401, %gather3A_404 : vector<16xi32>
      %broadcast_in_dim3A_406 = vector.shape_cast %xor3A_13 : vector<16xi32> to vector<16x1xi32>
      %gather3A_407 = vector.shape_cast %broadcast_in_dim3A_406 : vector<16x1xi32> to vector<16xi32>
      %gather3A_408 = tpu.dynamic_gather %add3A_405[%gather3A_407] in [0] : vector<16xi32>, vector<16xi32> -> vector<16xi32>
      %add3A_409 = arith.addi %add3A_405, %gather3A_408 : vector<16xi32>
      %broadcast_in_dim3A_410 = vector.shape_cast %xor3A_16 : vector<16xi32> to vector<16x1xi32>
      %gather3A_411 = vector.shape_cast %broadcast_in_dim3A_410 : vector<16x1xi32> to vector<16xi32>
      %gather3A_412 = tpu.dynamic_gather %add3A_409[%gather3A_411] in [0] : vector<16xi32>, vector<16xi32> -> vector<16xi32>
      %add3A_413 = arith.addi %add3A_409, %gather3A_412 : vector<16xi32>
      %add3A_414 = arith.constant 1 : i32
      %add3A_415 = arith.addi %mul3A_293, %add3A_414 : i32
      %get3A_416 = arith.index_cast %add3A_415 : i32 to index
      %get3A_417 = arith.constant 0 : index
      %get3A_418 = tpu.vector_load %arg5[%get3A_416, %get3A_417] {strides = array<i32>} : memref<64x200xi32, #tpu.memory_space<vmem>>, vector<1x16xi32>,
      %get3A_419 = vector.shape_cast %get3A_418 : vector<1x16xi32> to vector<16xi32>
      %broadcast_in_dim3A_420 = vector.shape_cast %get3A_419 : vector<16xi32> to vector<16x1xi32>
      %gather3A_421 = vector.shape_cast %broadcast_in_dim3A_420 : vector<16x1xi32> to vector<16xi32>
      %gather3A_422 = tpu.dynamic_gather %add3A_31[%gather3A_421] in [0] : vector<16xi32>, vector<16xi32> -> vector<16xi32>
      %add3A_423 = arith.addi %broadcast_in_dim3A_5, %gather3A_422 : vector<16xi32>
      %get3A_424 = arith.index_cast %add3A_415 : i32 to index
      %get3A_425 = arith.constant 16 : index
      %get3A_426 = tpu.vector_load %arg5[%get3A_424, %get3A_425] {strides = array<i32>} : memref<64x200xi32, #tpu.memory_space<vmem>>, vector<1x16xi32>,
      %get3A_427 = vector.shape_cast %get3A_426 : vector<1x16xi32> to vector<16xi32>
      %broadcast_in_dim3A_428 = vector.shape_cast %get3A_427 : vector<16xi32> to vector<16x1xi32>
      %gather3A_429 = vector.shape_cast %broadcast_in_dim3A_428 : vector<16x1xi32> to vector<16xi32>
      %gather3A_430 = tpu.dynamic_gather %add3A_31[%gather3A_429] in [0] : vector<16xi32>, vector<16xi32> -> vector<16xi32>
      %add3A_431 = arith.addi %broadcast_in_dim3A_5, %gather3A_430 : vector<16xi32>
      %get3A_432 = arith.index_cast %add3A_415 : i32 to index
      %get3A_433 = arith.constant 32 : index
      %get3A_434 = tpu.vector_load %arg5[%get3A_432, %get3A_433] {strides = array<i32>} : memref<64x200xi32, #tpu.memory_space<vmem>>, vector<1x16xi32>,
      %get3A_435 = vector.shape_cast %get3A_434 : vector<1x16xi32> to vector<16xi32>
      %broadcast_in_dim3A_436 = vector.shape_cast %get3A_435 : vector<16xi32> to vector<16x1xi32>
      %gather3A_437 = vector.shape_cast %broadcast_in_dim3A_436 : vector<16x1xi32> to vector<16xi32>
      %gather3A_438 = tpu.dynamic_gather %add3A_31[%gather3A_437] in [0] : vector<16xi32>, vector<16xi32> -> vector<16xi32>
      %add3A_439 = arith.addi %add3A_423, %gather3A_438 : vector<16xi32>
      %get3A_440 = arith.index_cast %add3A_415 : i32 to index
      %get3A_441 = arith.constant 48 : index
      %get3A_442 = tpu.vector_load %arg5[%get3A_440, %get3A_441] {strides = array<i32>} : memref<64x200xi32, #tpu.memory_space<vmem>>, vector<1x16xi32>,
      %get3A_443 = vector.shape_cast %get3A_442 : vector<1x16xi32> to vector<16xi32>
      %broadcast_in_dim3A_444 = vector.shape_cast %get3A_443 : vector<16xi32> to vector<16x1xi32>
      %gather3A_445 = vector.shape_cast %broadcast_in_dim3A_444 : vector<16x1xi32> to vector<16xi32>
      %gather3A_446 = tpu.dynamic_gather %add3A_31[%gather3A_445] in [0] : vector<16xi32>, vector<16xi32> -> vector<16xi32>
      %add3A_447 = arith.addi %add3A_431, %gather3A_446 : vector<16xi32>
      %get3A_448 = arith.index_cast %add3A_415 : i32 to index
      %get3A_449 = arith.constant 64 : index
      %get3A_450 = tpu.vector_load %arg5[%get3A_448, %get3A_449] {strides = array<i32>} : memref<64x200xi32, #tpu.memory_space<vmem>>, vector<1x16xi32>,
      %get3A_451 = vector.shape_cast %get3A_450 : vector<1x16xi32> to vector<16xi32>
      %broadcast_in_dim3A_452 = vector.shape_cast %get3A_451 : vector<16xi32> to vector<16x1xi32>
      %gather3A_453 = vector.shape_cast %broadcast_in_dim3A_452 : vector<16x1xi32> to vector<16xi32>
      %gather3A_454 = tpu.dynamic_gather %add3A_31[%gather3A_453] in [0] : vector<16xi32>, vector<16xi32> -> vector<16xi32>
      %add3A_455 = arith.addi %add3A_439, %gather3A_454 : vector<16xi32>
      %get3A_456 = arith.index_cast %add3A_415 : i32 to index
      %get3A_457 = arith.constant 80 : index
      %get3A_458 = tpu.vector_load %arg5[%get3A_456, %get3A_457] {strides = array<i32>} : memref<64x200xi32, #tpu.memory_space<vmem>>, vector<1x16xi32>,
      %get3A_459 = vector.shape_cast %get3A_458 : vector<1x16xi32> to vector<16xi32>
      %broadcast_in_dim3A_460 = vector.shape_cast %get3A_459 : vector<16xi32> to vector<16x1xi32>
      %gather3A_461 = vector.shape_cast %broadcast_in_dim3A_460 : vector<16x1xi32> to vector<16xi32>
      %gather3A_462 = tpu.dynamic_gather %add3A_31[%gather3A_461] in [0] : vector<16xi32>, vector<16xi32> -> vector<16xi32>
      %add3A_463 = arith.addi %add3A_447, %gather3A_462 : vector<16xi32>
      %get3A_464 = arith.index_cast %add3A_415 : i32 to index
      %get3A_465 = arith.constant 96 : index
      %get3A_466 = tpu.vector_load %arg5[%get3A_464, %get3A_465] {strides = array<i32>} : memref<64x200xi32, #tpu.memory_space<vmem>>, vector<1x16xi32>,
      %get3A_467 = vector.shape_cast %get3A_466 : vector<1x16xi32> to vector<16xi32>
      %broadcast_in_dim3A_468 = vector.shape_cast %get3A_467 : vector<16xi32> to vector<16x1xi32>
      %gather3A_469 = vector.shape_cast %broadcast_in_dim3A_468 : vector<16x1xi32> to vector<16xi32>
      %gather3A_470 = tpu.dynamic_gather %add3A_31[%gather3A_469] in [0] : vector<16xi32>, vector<16xi32> -> vector<16xi32>
      %add3A_471 = arith.addi %add3A_455, %gather3A_470 : vector<16xi32>
      %get3A_472 = arith.index_cast %add3A_415 : i32 to index
      %get3A_473 = arith.constant 112 : index
      %get3A_474 = tpu.vector_load %arg5[%get3A_472, %get3A_473] {strides = array<i32>} : memref<64x200xi32, #tpu.memory_space<vmem>>, vector<1x16xi32>,
      %get3A_475 = vector.shape_cast %get3A_474 : vector<1x16xi32> to vector<16xi32>
      %broadcast_in_dim3A_476 = vector.shape_cast %get3A_475 : vector<16xi32> to vector<16x1xi32>
      %gather3A_477 = vector.shape_cast %broadcast_in_dim3A_476 : vector<16x1xi32> to vector<16xi32>
      %gather3A_478 = tpu.dynamic_gather %add3A_31[%gather3A_477] in [0] : vector<16xi32>, vector<16xi32> -> vector<16xi32>
      %add3A_479 = arith.addi %add3A_463, %gather3A_478 : vector<16xi32>
      %get3A_480 = arith.index_cast %add3A_415 : i32 to index
      %get3A_481 = arith.constant 128 : index
      %get3A_482 = tpu.vector_load %arg5[%get3A_480, %get3A_481] {strides = array<i32>} : memref<64x200xi32, #tpu.memory_space<vmem>>, vector<1x16xi32>,
      %get3A_483 = vector.shape_cast %get3A_482 : vector<1x16xi32> to vector<16xi32>
      %broadcast_in_dim3A_484 = vector.shape_cast %get3A_483 : vector<16xi32> to vector<16x1xi32>
      %gather3A_485 = vector.shape_cast %broadcast_in_dim3A_484 : vector<16x1xi32> to vector<16xi32>
      %gather3A_486 = tpu.dynamic_gather %add3A_31[%gather3A_485] in [0] : vector<16xi32>, vector<16xi32> -> vector<16xi32>
      %add3A_487 = arith.addi %add3A_471, %gather3A_486 : vector<16xi32>
      %get3A_488 = arith.index_cast %add3A_415 : i32 to index
      %get3A_489 = arith.constant 144 : index
      %get3A_490 = tpu.vector_load %arg5[%get3A_488, %get3A_489] {strides = array<i32>} : memref<64x200xi32, #tpu.memory_space<vmem>>, vector<1x16xi32>,
      %get3A_491 = vector.shape_cast %get3A_490 : vector<1x16xi32> to vector<16xi32>
      %broadcast_in_dim3A_492 = vector.shape_cast %get3A_491 : vector<16xi32> to vector<16x1xi32>
      %gather3A_493 = vector.shape_cast %broadcast_in_dim3A_492 : vector<16x1xi32> to vector<16xi32>
      %gather3A_494 = tpu.dynamic_gather %add3A_31[%gather3A_493] in [0] : vector<16xi32>, vector<16xi32> -> vector<16xi32>
      %add3A_495 = arith.addi %add3A_479, %gather3A_494 : vector<16xi32>
      %get3A_496 = arith.index_cast %add3A_415 : i32 to index
      %get3A_497 = arith.constant 160 : index
      %get3A_498 = tpu.vector_load %arg5[%get3A_496, %get3A_497] {strides = array<i32>} : memref<64x200xi32, #tpu.memory_space<vmem>>, vector<1x16xi32>,
      %get3A_499 = vector.shape_cast %get3A_498 : vector<1x16xi32> to vector<16xi32>
      %broadcast_in_dim3A_500 = vector.shape_cast %get3A_499 : vector<16xi32> to vector<16x1xi32>
      %gather3A_501 = vector.shape_cast %broadcast_in_dim3A_500 : vector<16x1xi32> to vector<16xi32>
      %gather3A_502 = tpu.dynamic_gather %add3A_31[%gather3A_501] in [0] : vector<16xi32>, vector<16xi32> -> vector<16xi32>
      %add3A_503 = arith.addi %add3A_487, %gather3A_502 : vector<16xi32>
      %get3A_504 = arith.index_cast %add3A_415 : i32 to index
      %get3A_505 = arith.constant 176 : index
      %get3A_506 = tpu.vector_load %arg5[%get3A_504, %get3A_505] {strides = array<i32>} : memref<64x200xi32, #tpu.memory_space<vmem>>, vector<1x16xi32>,
      %get3A_507 = vector.shape_cast %get3A_506 : vector<1x16xi32> to vector<16xi32>
      %broadcast_in_dim3A_508 = vector.shape_cast %get3A_507 : vector<16xi32> to vector<16x1xi32>
      %gather3A_509 = vector.shape_cast %broadcast_in_dim3A_508 : vector<16x1xi32> to vector<16xi32>
      %gather3A_510 = tpu.dynamic_gather %add3A_31[%gather3A_509] in [0] : vector<16xi32>, vector<16xi32> -> vector<16xi32>
      %add3A_511 = arith.addi %add3A_495, %gather3A_510 : vector<16xi32>
      %get3A_512 = arith.index_cast %add3A_415 : i32 to index
      %get3A_513 = arith.constant 184 : index
      %get3A_514 = tpu.vector_load %arg5[%get3A_512, %get3A_513] {strides = array<i32>} : memref<64x200xi32, #tpu.memory_space<vmem>>, vector<1x16xi32>,
      %get3A_515 = vector.shape_cast %get3A_514 : vector<1x16xi32> to vector<16xi32>
      %broadcast_in_dim3A_516 = vector.shape_cast %get3A_515 : vector<16xi32> to vector<16x1xi32>
      %gather3A_517 = vector.shape_cast %broadcast_in_dim3A_516 : vector<16x1xi32> to vector<16xi32>
      %gather3A_518 = tpu.dynamic_gather %add3A_31[%gather3A_517] in [0] : vector<16xi32>, vector<16xi32> -> vector<16xi32>
      %add3A_519 = arith.addi %add3A_503, %add3A_511 : vector<16xi32>
      %select_n3A_520 = arith.select %lt3A_4, %broadcast_in_dim3A_5, %gather3A_518 : vector<16xi1>, vector<16xi32>
      %add3A_521 = arith.addi %add3A_519, %select_n3A_520 : vector<16xi32>
      %broadcast_in_dim3A_522 = vector.shape_cast %xor3A_7 : vector<16xi32> to vector<16x1xi32>
      %gather3A_523 = vector.shape_cast %broadcast_in_dim3A_522 : vector<16x1xi32> to vector<16xi32>
      %gather3A_524 = tpu.dynamic_gather %add3A_521[%gather3A_523] in [0] : vector<16xi32>, vector<16xi32> -> vector<16xi32>
      %add3A_525 = arith.addi %add3A_521, %gather3A_524 : vector<16xi32>
      %broadcast_in_dim3A_526 = vector.shape_cast %xor3A_10 : vector<16xi32> to vector<16x1xi32>
      %gather3A_527 = vector.shape_cast %broadcast_in_dim3A_526 : vector<16x1xi32> to vector<16xi32>
      %gather3A_528 = tpu.dynamic_gather %add3A_525[%gather3A_527] in [0] : vector<16xi32>, vector<16xi32> -> vector<16xi32>
      %add3A_529 = arith.addi %add3A_525, %gather3A_528 : vector<16xi32>
      %broadcast_in_dim3A_530 = vector.shape_cast %xor3A_13 : vector<16xi32> to vector<16x1xi32>
      %gather3A_531 = vector.shape_cast %broadcast_in_dim3A_530 : vector<16x1xi32> to vector<16xi32>
      %gather3A_532 = tpu.dynamic_gather %add3A_529[%gather3A_531] in [0] : vector<16xi32>, vector<16xi32> -> vector<16xi32>
      %add3A_533 = arith.addi %add3A_529, %gather3A_532 : vector<16xi32>
      %broadcast_in_dim3A_534 = vector.shape_cast %xor3A_16 : vector<16xi32> to vector<16x1xi32>
      %gather3A_535 = vector.shape_cast %broadcast_in_dim3A_534 : vector<16x1xi32> to vector<16xi32>
      %gather3A_536 = tpu.dynamic_gather %add3A_533[%gather3A_535] in [0] : vector<16xi32>, vector<16xi32> -> vector<16xi32>
      %add3A_537 = arith.addi %add3A_533, %gather3A_536 : vector<16xi32>
      %shift_right_arithmetic3A_538 = arith.constant 16 : i32
      %shift_right_arithmetic3A_539 = vector.broadcast %shift_right_arithmetic3A_538 : i32 to vector<16xi32>
      %shift_right_arithmetic3A_540 = arith.shrsi %add3A_413, %shift_right_arithmetic3A_539 : vector<16xi32>
      %convert_element_type3A = arith.sitofp %shift_right_arithmetic3A_540 : vector<16xi32> to vector<16xf32>
      %and3A_541 = arith.constant 255 : i32
      %and3A_542 = vector.broadcast %and3A_541 : i32 to vector<16xi32>
      %and3A_543 = arith.andi %add3A_413, %and3A_542 : vector<16xi32>
      %convert_element_type3A_544 = arith.sitofp %and3A_543 : vector<16xi32> to vector<16xf32>
      %sub3A_545 = arith.subf %convert_element_type3A_544, %convert_element_type3A : vector<16xf32>
      %shift_right_arithmetic3A_546 = arith.constant 8 : i32
      %shift_right_arithmetic3A_547 = vector.broadcast %shift_right_arithmetic3A_546 : i32 to vector<16xi32>
      %shift_right_arithmetic3A_548 = arith.shrsi %add3A_413, %shift_right_arithmetic3A_547 : vector<16xi32>
      %and3A_549 = arith.constant 255 : i32
      %and3A_550 = vector.broadcast %and3A_549 : i32 to vector<16xi32>
      %and3A_551 = arith.andi %shift_right_arithmetic3A_548, %and3A_550 : vector<16xi32>
      %convert_element_type3A_552 = arith.sitofp %and3A_551 : vector<16xi32> to vector<16xf32>
      %sub3A_553 = arith.subf %convert_element_type3A_552, %convert_element_type3A : vector<16xf32>
      %mul3A_554 = arith.mulf %sub3A_545, %mul3A_78 : vector<16xf32>
      %add3A_555 = arith.addf %get3A_35, %mul3A_554 : vector<16xf32>
      %mul3A_556 = arith.mulf %sub3A_553, %mul3A_150 : vector<16xf32>
      %add3A_557 = arith.addf %add3A_555, %mul3A_556 : vector<16xf32>
      %mul3A_558 = arith.mulf %convert_element_type3A, %mul3A_222 : vector<16xf32>
      %add3A_559 = arith.addf %add3A_557, %mul3A_558 : vector<16xf32>
      %swap3A = arith.index_cast %mul3A_293 : i32 to index
      %swap3A_560 = arith.constant 0 : index
      %swap3A_561 = tpu.vector_load %arg7[%swap3A, %swap3A_560] {strides = array<i32>} : memref<64x128xf32, #tpu.memory_space<vmem>>, vector<1x16xf32>,
      %swap3A_562 = vector.shape_cast %swap3A_561 : vector<1x16xf32> to vector<16xf32>
      %swap3A_563 = vector.shape_cast %add3A_559 : vector<16xf32> to vector<1x16xf32>
      tpu.vector_store %arg7[%swap3A, %swap3A_560], %swap3A_563 {strides = array<i32>} : memref<64x128xf32, #tpu.memory_space<vmem>>, vector<1x16xf32>,
      %mul3A_564 = arith.mulf %sub3A_545, %mul3A_87 : vector<16xf32>
      %add3A_565 = arith.addf %get3A_40, %mul3A_564 : vector<16xf32>
      %mul3A_566 = arith.mulf %sub3A_553, %mul3A_159 : vector<16xf32>
      %add3A_567 = arith.addf %add3A_565, %mul3A_566 : vector<16xf32>
      %mul3A_568 = arith.mulf %convert_element_type3A, %mul3A_231 : vector<16xf32>
      %add3A_569 = arith.addf %add3A_567, %mul3A_568 : vector<16xf32>
      %swap3A_570 = arith.index_cast %mul3A_293 : i32 to index
      %swap3A_571 = arith.constant 16 : index
      %swap3A_572 = tpu.vector_load %arg7[%swap3A_570, %swap3A_571] {strides = array<i32>} : memref<64x128xf32, #tpu.memory_space<vmem>>, vector<1x16xf32>,
      %swap3A_573 = vector.shape_cast %swap3A_572 : vector<1x16xf32> to vector<16xf32>
      %swap3A_574 = vector.shape_cast %add3A_569 : vector<16xf32> to vector<1x16xf32>
      tpu.vector_store %arg7[%swap3A_570, %swap3A_571], %swap3A_574 {strides = array<i32>} : memref<64x128xf32, #tpu.memory_space<vmem>>, vector<1x16xf32>,
      %mul3A_575 = arith.mulf %sub3A_545, %mul3A_96 : vector<16xf32>
      %add3A_576 = arith.addf %get3A_45, %mul3A_575 : vector<16xf32>
      %mul3A_577 = arith.mulf %sub3A_553, %mul3A_168 : vector<16xf32>
      %add3A_578 = arith.addf %add3A_576, %mul3A_577 : vector<16xf32>
      %mul3A_579 = arith.mulf %convert_element_type3A, %mul3A_240 : vector<16xf32>
      %add3A_580 = arith.addf %add3A_578, %mul3A_579 : vector<16xf32>
      %swap3A_581 = arith.index_cast %mul3A_293 : i32 to index
      %swap3A_582 = arith.constant 32 : index
      %swap3A_583 = tpu.vector_load %arg7[%swap3A_581, %swap3A_582] {strides = array<i32>} : memref<64x128xf32, #tpu.memory_space<vmem>>, vector<1x16xf32>,
      %swap3A_584 = vector.shape_cast %swap3A_583 : vector<1x16xf32> to vector<16xf32>
      %swap3A_585 = vector.shape_cast %add3A_580 : vector<16xf32> to vector<1x16xf32>
      tpu.vector_store %arg7[%swap3A_581, %swap3A_582], %swap3A_585 {strides = array<i32>} : memref<64x128xf32, #tpu.memory_space<vmem>>, vector<1x16xf32>,
      %mul3A_586 = arith.mulf %sub3A_545, %mul3A_105 : vector<16xf32>
      %add3A_587 = arith.addf %get3A_50, %mul3A_586 : vector<16xf32>
      %mul3A_588 = arith.mulf %sub3A_553, %mul3A_177 : vector<16xf32>
      %add3A_589 = arith.addf %add3A_587, %mul3A_588 : vector<16xf32>
      %mul3A_590 = arith.mulf %convert_element_type3A, %mul3A_249 : vector<16xf32>
      %add3A_591 = arith.addf %add3A_589, %mul3A_590 : vector<16xf32>
      %swap3A_592 = arith.index_cast %mul3A_293 : i32 to index
      %swap3A_593 = arith.constant 48 : index
      %swap3A_594 = tpu.vector_load %arg7[%swap3A_592, %swap3A_593] {strides = array<i32>} : memref<64x128xf32, #tpu.memory_space<vmem>>, vector<1x16xf32>,
      %swap3A_595 = vector.shape_cast %swap3A_594 : vector<1x16xf32> to vector<16xf32>
      %swap3A_596 = vector.shape_cast %add3A_591 : vector<16xf32> to vector<1x16xf32>
      tpu.vector_store %arg7[%swap3A_592, %swap3A_593], %swap3A_596 {strides = array<i32>} : memref<64x128xf32, #tpu.memory_space<vmem>>, vector<1x16xf32>,
      %mul3A_597 = arith.mulf %sub3A_545, %mul3A_114 : vector<16xf32>
      %add3A_598 = arith.addf %get3A_55, %mul3A_597 : vector<16xf32>
      %mul3A_599 = arith.mulf %sub3A_553, %mul3A_186 : vector<16xf32>
      %add3A_600 = arith.addf %add3A_598, %mul3A_599 : vector<16xf32>
      %mul3A_601 = arith.mulf %convert_element_type3A, %mul3A_258 : vector<16xf32>
      %add3A_602 = arith.addf %add3A_600, %mul3A_601 : vector<16xf32>
      %swap3A_603 = arith.index_cast %mul3A_293 : i32 to index
      %swap3A_604 = arith.constant 64 : index
      %swap3A_605 = tpu.vector_load %arg7[%swap3A_603, %swap3A_604] {strides = array<i32>} : memref<64x128xf32, #tpu.memory_space<vmem>>, vector<1x16xf32>,
      %swap3A_606 = vector.shape_cast %swap3A_605 : vector<1x16xf32> to vector<16xf32>
      %swap3A_607 = vector.shape_cast %add3A_602 : vector<16xf32> to vector<1x16xf32>
      tpu.vector_store %arg7[%swap3A_603, %swap3A_604], %swap3A_607 {strides = array<i32>} : memref<64x128xf32, #tpu.memory_space<vmem>>, vector<1x16xf32>,
      %mul3A_608 = arith.mulf %sub3A_545, %mul3A_123 : vector<16xf32>
      %add3A_609 = arith.addf %get3A_60, %mul3A_608 : vector<16xf32>
      %mul3A_610 = arith.mulf %sub3A_553, %mul3A_195 : vector<16xf32>
      %add3A_611 = arith.addf %add3A_609, %mul3A_610 : vector<16xf32>
      %mul3A_612 = arith.mulf %convert_element_type3A, %mul3A_267 : vector<16xf32>
      %add3A_613 = arith.addf %add3A_611, %mul3A_612 : vector<16xf32>
      %swap3A_614 = arith.index_cast %mul3A_293 : i32 to index
      %swap3A_615 = arith.constant 80 : index
      %swap3A_616 = tpu.vector_load %arg7[%swap3A_614, %swap3A_615] {strides = array<i32>} : memref<64x128xf32, #tpu.memory_space<vmem>>, vector<1x16xf32>,
      %swap3A_617 = vector.shape_cast %swap3A_616 : vector<1x16xf32> to vector<16xf32>
      %swap3A_618 = vector.shape_cast %add3A_613 : vector<16xf32> to vector<1x16xf32>
      tpu.vector_store %arg7[%swap3A_614, %swap3A_615], %swap3A_618 {strides = array<i32>} : memref<64x128xf32, #tpu.memory_space<vmem>>, vector<1x16xf32>,
      %mul3A_619 = arith.mulf %sub3A_545, %mul3A_132 : vector<16xf32>
      %add3A_620 = arith.addf %get3A_65, %mul3A_619 : vector<16xf32>
      %mul3A_621 = arith.mulf %sub3A_553, %mul3A_204 : vector<16xf32>
      %add3A_622 = arith.addf %add3A_620, %mul3A_621 : vector<16xf32>
      %mul3A_623 = arith.mulf %convert_element_type3A, %mul3A_276 : vector<16xf32>
      %add3A_624 = arith.addf %add3A_622, %mul3A_623 : vector<16xf32>
      %swap3A_625 = arith.index_cast %mul3A_293 : i32 to index
      %swap3A_626 = arith.constant 96 : index
      %swap3A_627 = tpu.vector_load %arg7[%swap3A_625, %swap3A_626] {strides = array<i32>} : memref<64x128xf32, #tpu.memory_space<vmem>>, vector<1x16xf32>,
      %swap3A_628 = vector.shape_cast %swap3A_627 : vector<1x16xf32> to vector<16xf32>
      %swap3A_629 = vector.shape_cast %add3A_624 : vector<16xf32> to vector<1x16xf32>
      tpu.vector_store %arg7[%swap3A_625, %swap3A_626], %swap3A_629 {strides = array<i32>} : memref<64x128xf32, #tpu.memory_space<vmem>>, vector<1x16xf32>,
      %mul3A_630 = arith.mulf %sub3A_545, %mul3A_141 : vector<16xf32>
      %add3A_631 = arith.addf %get3A_70, %mul3A_630 : vector<16xf32>
      %mul3A_632 = arith.mulf %sub3A_553, %mul3A_213 : vector<16xf32>
      %add3A_633 = arith.addf %add3A_631, %mul3A_632 : vector<16xf32>
      %mul3A_634 = arith.mulf %convert_element_type3A, %mul3A_285 : vector<16xf32>
      %add3A_635 = arith.addf %add3A_633, %mul3A_634 : vector<16xf32>
      %swap3A_636 = arith.index_cast %mul3A_293 : i32 to index
      %swap3A_637 = arith.constant 112 : index
      %swap3A_638 = tpu.vector_load %arg7[%swap3A_636, %swap3A_637] {strides = array<i32>} : memref<64x128xf32, #tpu.memory_space<vmem>>, vector<1x16xf32>,
      %swap3A_639 = vector.shape_cast %swap3A_638 : vector<1x16xf32> to vector<16xf32>
      %swap3A_640 = vector.shape_cast %add3A_635 : vector<16xf32> to vector<1x16xf32>
      tpu.vector_store %arg7[%swap3A_636, %swap3A_637], %swap3A_640 {strides = array<i32>} : memref<64x128xf32, #tpu.memory_space<vmem>>, vector<1x16xf32>,
      %add3A_641 = arith.constant 1 : i32
      %add3A_642 = arith.addi %mul3A_293, %add3A_641 : i32
      %shift_right_arithmetic3A_643 = arith.constant 16 : i32
      %shift_right_arithmetic3A_644 = vector.broadcast %shift_right_arithmetic3A_643 : i32 to vector<16xi32>
      %shift_right_arithmetic3A_645 = arith.shrsi %add3A_537, %shift_right_arithmetic3A_644 : vector<16xi32>
      %convert_element_type3A_646 = arith.sitofp %shift_right_arithmetic3A_645 : vector<16xi32> to vector<16xf32>
      %and3A_647 = arith.constant 255 : i32
      %and3A_648 = vector.broadcast %and3A_647 : i32 to vector<16xi32>
      %and3A_649 = arith.andi %add3A_537, %and3A_648 : vector<16xi32>
      %convert_element_type3A_650 = arith.sitofp %and3A_649 : vector<16xi32> to vector<16xf32>
      %sub3A_651 = arith.subf %convert_element_type3A_650, %convert_element_type3A_646 : vector<16xf32>
      %shift_right_arithmetic3A_652 = arith.constant 8 : i32
      %shift_right_arithmetic3A_653 = vector.broadcast %shift_right_arithmetic3A_652 : i32 to vector<16xi32>
      %shift_right_arithmetic3A_654 = arith.shrsi %add3A_537, %shift_right_arithmetic3A_653 : vector<16xi32>
      %and3A_655 = arith.constant 255 : i32
      %and3A_656 = vector.broadcast %and3A_655 : i32 to vector<16xi32>
      %and3A_657 = arith.andi %shift_right_arithmetic3A_654, %and3A_656 : vector<16xi32>
      %convert_element_type3A_658 = arith.sitofp %and3A_657 : vector<16xi32> to vector<16xf32>
      %sub3A_659 = arith.subf %convert_element_type3A_658, %convert_element_type3A_646 : vector<16xf32>
      %mul3A_660 = arith.mulf %sub3A_651, %mul3A_78 : vector<16xf32>
      %add3A_661 = arith.addf %get3A_35, %mul3A_660 : vector<16xf32>
      %mul3A_662 = arith.mulf %sub3A_659, %mul3A_150 : vector<16xf32>
      %add3A_663 = arith.addf %add3A_661, %mul3A_662 : vector<16xf32>
      %mul3A_664 = arith.mulf %convert_element_type3A_646, %mul3A_222 : vector<16xf32>
      %add3A_665 = arith.addf %add3A_663, %mul3A_664 : vector<16xf32>
      %swap3A_666 = arith.index_cast %add3A_642 : i32 to index
      %swap3A_667 = arith.constant 0 : index
      %swap3A_668 = tpu.vector_load %arg7[%swap3A_666, %swap3A_667] {strides = array<i32>} : memref<64x128xf32, #tpu.memory_space<vmem>>, vector<1x16xf32>,
      %swap3A_669 = vector.shape_cast %swap3A_668 : vector<1x16xf32> to vector<16xf32>
      %swap3A_670 = vector.shape_cast %add3A_665 : vector<16xf32> to vector<1x16xf32>
      tpu.vector_store %arg7[%swap3A_666, %swap3A_667], %swap3A_670 {strides = array<i32>} : memref<64x128xf32, #tpu.memory_space<vmem>>, vector<1x16xf32>,
      %mul3A_671 = arith.mulf %sub3A_651, %mul3A_87 : vector<16xf32>
      %add3A_672 = arith.addf %get3A_40, %mul3A_671 : vector<16xf32>
      %mul3A_673 = arith.mulf %sub3A_659, %mul3A_159 : vector<16xf32>
      %add3A_674 = arith.addf %add3A_672, %mul3A_673 : vector<16xf32>
      %mul3A_675 = arith.mulf %convert_element_type3A_646, %mul3A_231 : vector<16xf32>
      %add3A_676 = arith.addf %add3A_674, %mul3A_675 : vector<16xf32>
      %swap3A_677 = arith.index_cast %add3A_642 : i32 to index
      %swap3A_678 = arith.constant 16 : index
      %swap3A_679 = tpu.vector_load %arg7[%swap3A_677, %swap3A_678] {strides = array<i32>} : memref<64x128xf32, #tpu.memory_space<vmem>>, vector<1x16xf32>,
      %swap3A_680 = vector.shape_cast %swap3A_679 : vector<1x16xf32> to vector<16xf32>
      %swap3A_681 = vector.shape_cast %add3A_676 : vector<16xf32> to vector<1x16xf32>
      tpu.vector_store %arg7[%swap3A_677, %swap3A_678], %swap3A_681 {strides = array<i32>} : memref<64x128xf32, #tpu.memory_space<vmem>>, vector<1x16xf32>,
      %mul3A_682 = arith.mulf %sub3A_651, %mul3A_96 : vector<16xf32>
      %add3A_683 = arith.addf %get3A_45, %mul3A_682 : vector<16xf32>
      %mul3A_684 = arith.mulf %sub3A_659, %mul3A_168 : vector<16xf32>
      %add3A_685 = arith.addf %add3A_683, %mul3A_684 : vector<16xf32>
      %mul3A_686 = arith.mulf %convert_element_type3A_646, %mul3A_240 : vector<16xf32>
      %add3A_687 = arith.addf %add3A_685, %mul3A_686 : vector<16xf32>
      %swap3A_688 = arith.index_cast %add3A_642 : i32 to index
      %swap3A_689 = arith.constant 32 : index
      %swap3A_690 = tpu.vector_load %arg7[%swap3A_688, %swap3A_689] {strides = array<i32>} : memref<64x128xf32, #tpu.memory_space<vmem>>, vector<1x16xf32>,
      %swap3A_691 = vector.shape_cast %swap3A_690 : vector<1x16xf32> to vector<16xf32>
      %swap3A_692 = vector.shape_cast %add3A_687 : vector<16xf32> to vector<1x16xf32>
      tpu.vector_store %arg7[%swap3A_688, %swap3A_689], %swap3A_692 {strides = array<i32>} : memref<64x128xf32, #tpu.memory_space<vmem>>, vector<1x16xf32>,
      %mul3A_693 = arith.mulf %sub3A_651, %mul3A_105 : vector<16xf32>
      %add3A_694 = arith.addf %get3A_50, %mul3A_693 : vector<16xf32>
      %mul3A_695 = arith.mulf %sub3A_659, %mul3A_177 : vector<16xf32>
      %add3A_696 = arith.addf %add3A_694, %mul3A_695 : vector<16xf32>
      %mul3A_697 = arith.mulf %convert_element_type3A_646, %mul3A_249 : vector<16xf32>
      %add3A_698 = arith.addf %add3A_696, %mul3A_697 : vector<16xf32>
      %swap3A_699 = arith.index_cast %add3A_642 : i32 to index
      %swap3A_700 = arith.constant 48 : index
      %swap3A_701 = tpu.vector_load %arg7[%swap3A_699, %swap3A_700] {strides = array<i32>} : memref<64x128xf32, #tpu.memory_space<vmem>>, vector<1x16xf32>,
      %swap3A_702 = vector.shape_cast %swap3A_701 : vector<1x16xf32> to vector<16xf32>
      %swap3A_703 = vector.shape_cast %add3A_698 : vector<16xf32> to vector<1x16xf32>
      tpu.vector_store %arg7[%swap3A_699, %swap3A_700], %swap3A_703 {strides = array<i32>} : memref<64x128xf32, #tpu.memory_space<vmem>>, vector<1x16xf32>,
      %mul3A_704 = arith.mulf %sub3A_651, %mul3A_114 : vector<16xf32>
      %add3A_705 = arith.addf %get3A_55, %mul3A_704 : vector<16xf32>
      %mul3A_706 = arith.mulf %sub3A_659, %mul3A_186 : vector<16xf32>
      %add3A_707 = arith.addf %add3A_705, %mul3A_706 : vector<16xf32>
      %mul3A_708 = arith.mulf %convert_element_type3A_646, %mul3A_258 : vector<16xf32>
      %add3A_709 = arith.addf %add3A_707, %mul3A_708 : vector<16xf32>
      %swap3A_710 = arith.index_cast %add3A_642 : i32 to index
      %swap3A_711 = arith.constant 64 : index
      %swap3A_712 = tpu.vector_load %arg7[%swap3A_710, %swap3A_711] {strides = array<i32>} : memref<64x128xf32, #tpu.memory_space<vmem>>, vector<1x16xf32>,
      %swap3A_713 = vector.shape_cast %swap3A_712 : vector<1x16xf32> to vector<16xf32>
      %swap3A_714 = vector.shape_cast %add3A_709 : vector<16xf32> to vector<1x16xf32>
      tpu.vector_store %arg7[%swap3A_710, %swap3A_711], %swap3A_714 {strides = array<i32>} : memref<64x128xf32, #tpu.memory_space<vmem>>, vector<1x16xf32>,
      %mul3A_715 = arith.mulf %sub3A_651, %mul3A_123 : vector<16xf32>
      %add3A_716 = arith.addf %get3A_60, %mul3A_715 : vector<16xf32>
      %mul3A_717 = arith.mulf %sub3A_659, %mul3A_195 : vector<16xf32>
      %add3A_718 = arith.addf %add3A_716, %mul3A_717 : vector<16xf32>
      %mul3A_719 = arith.mulf %convert_element_type3A_646, %mul3A_267 : vector<16xf32>
      %add3A_720 = arith.addf %add3A_718, %mul3A_719 : vector<16xf32>
      %swap3A_721 = arith.index_cast %add3A_642 : i32 to index
      %swap3A_722 = arith.constant 80 : index
      %swap3A_723 = tpu.vector_load %arg7[%swap3A_721, %swap3A_722] {strides = array<i32>} : memref<64x128xf32, #tpu.memory_space<vmem>>, vector<1x16xf32>,
      %swap3A_724 = vector.shape_cast %swap3A_723 : vector<1x16xf32> to vector<16xf32>
      %swap3A_725 = vector.shape_cast %add3A_720 : vector<16xf32> to vector<1x16xf32>
      tpu.vector_store %arg7[%swap3A_721, %swap3A_722], %swap3A_725 {strides = array<i32>} : memref<64x128xf32, #tpu.memory_space<vmem>>, vector<1x16xf32>,
      %mul3A_726 = arith.mulf %sub3A_651, %mul3A_132 : vector<16xf32>
      %add3A_727 = arith.addf %get3A_65, %mul3A_726 : vector<16xf32>
      %mul3A_728 = arith.mulf %sub3A_659, %mul3A_204 : vector<16xf32>
      %add3A_729 = arith.addf %add3A_727, %mul3A_728 : vector<16xf32>
      %mul3A_730 = arith.mulf %convert_element_type3A_646, %mul3A_276 : vector<16xf32>
      %add3A_731 = arith.addf %add3A_729, %mul3A_730 : vector<16xf32>
      %swap3A_732 = arith.index_cast %add3A_642 : i32 to index
      %swap3A_733 = arith.constant 96 : index
      %swap3A_734 = tpu.vector_load %arg7[%swap3A_732, %swap3A_733] {strides = array<i32>} : memref<64x128xf32, #tpu.memory_space<vmem>>, vector<1x16xf32>,
      %swap3A_735 = vector.shape_cast %swap3A_734 : vector<1x16xf32> to vector<16xf32>
      %swap3A_736 = vector.shape_cast %add3A_731 : vector<16xf32> to vector<1x16xf32>
      tpu.vector_store %arg7[%swap3A_732, %swap3A_733], %swap3A_736 {strides = array<i32>} : memref<64x128xf32, #tpu.memory_space<vmem>>, vector<1x16xf32>,
      %mul3A_737 = arith.mulf %sub3A_651, %mul3A_141 : vector<16xf32>
      %add3A_738 = arith.addf %get3A_70, %mul3A_737 : vector<16xf32>
      %mul3A_739 = arith.mulf %sub3A_659, %mul3A_213 : vector<16xf32>
      %add3A_740 = arith.addf %add3A_738, %mul3A_739 : vector<16xf32>
      %mul3A_741 = arith.mulf %convert_element_type3A_646, %mul3A_285 : vector<16xf32>
      %add3A_742 = arith.addf %add3A_740, %mul3A_741 : vector<16xf32>
      %swap3A_743 = arith.index_cast %add3A_642 : i32 to index
      %swap3A_744 = arith.constant 112 : index
      %swap3A_745 = tpu.vector_load %arg7[%swap3A_743, %swap3A_744] {strides = array<i32>} : memref<64x128xf32, #tpu.memory_space<vmem>>, vector<1x16xf32>,
      %swap3A_746 = vector.shape_cast %swap3A_745 : vector<1x16xf32> to vector<16xf32>
      %swap3A_747 = vector.shape_cast %add3A_742 : vector<16xf32> to vector<1x16xf32>
      tpu.vector_store %arg7[%swap3A_743, %swap3A_744], %swap3A_747 {strides = array<i32>} : memref<64x128xf32, #tpu.memory_space<vmem>>, vector<1x16xf32>,
    }
    %scan3A_290 = arith.constant 32 : i32
    "tpu.region"() ({
      %run_scoped3A = tpu.sem_alloc : memref<!tpu.dma_semaphore, #tpu.memory_space<semaphore_mem>>
      %dma_start3A = arith.constant 0 : i32
      %dma_start3A_291 = tpu.memref_slice %arg4[%mul3A_2, %dma_start3A] : memref<2048x128xf32, #tpu.memory_space<hbm>> -> memref<64x128xf32, #tpu.memory_space<hbm>>
      %dma_start3A_292 = arith.constant 0 : i32
      %dma_start3A_293 = tpu.memref_slice %arg4[%mul3A_2, %dma_start3A_292] : memref<2048x128xf32, #tpu.memory_space<hbm>> -> memref<64x128xf32, #tpu.memory_space<hbm>>
      tpu.enqueue_dma source(%arg7 : memref<64x128xf32, #tpu.memory_space<vmem>>) target(%dma_start3A_293 : memref<64x128xf32, #tpu.memory_space<hbm>>) target_semaphore(%run_scoped3A : memref<!tpu.dma_semaphore, #tpu.memory_space<semaphore_mem>>)
      %dma_wait3A = arith.constant 0 : i32
      %dma_wait3A_294 = tpu.memref_slice %arg4[%mul3A_2, %dma_wait3A] : memref<2048x128xf32, #tpu.memory_space<hbm>> -> memref<64x128xf32, #tpu.memory_space<hbm>>
      %dma_wait3A_295 = arith.constant 0 : i32
      %dma_wait3A_296 = tpu.memref_slice %arg4[%mul3A_2, %dma_wait3A_295] : memref<2048x128xf32, #tpu.memory_space<hbm>> -> memref<64x128xf32, #tpu.memory_space<hbm>>
      tpu.wait_dma2 semaphore(%run_scoped3A : memref<!tpu.dma_semaphore, #tpu.memory_space<semaphore_mem>>) src(%arg7 : memref<64x128xf32, #tpu.memory_space<vmem>>) dst(%dma_wait3A_296 : memref<64x128xf32, #tpu.memory_space<hbm>>)
      tpu.yield
    }) : () -> ()
    return
  }
}

module attributes {stable_mosaic.version = 14 : i64} {
  func.func @_tc_block(%arg0: i32, %arg1: memref<512x200xi32, #tpu.memory_space<vmem>>, %arg2: memref<4x128xf32, #tpu.memory_space<vmem>>, %arg3: memref<512x128xf32, #tpu.memory_space<vmem>>) attributes {dimension_semantics = [#tpu.dimension_semantics<arbitrary>], iteration_bounds = array<i64: 4>, scalar_prefetch = 0 : i64, scratch_operands = 0 : i64, tpu.core_type = #tpu.core_type<tc>, window_params = [{transform_indices = @transform_0, window_bounds = array<i64: 512, 200>}, {pipeline_mode = #tpu.pipeline_mode<synchronous>, transform_indices = @transform_1, window_bounds = array<i64: 4, 128>}, {transform_indices = @transform_2, window_bounds = array<i64: 512, 128>}]} {
    %get3A = arith.constant 0 : index
    %get3A_0 = arith.constant 0 : index
    %get3A_1 = vector.load %arg1[%get3A, %get3A_0] : memref<512x200xi32, #tpu.memory_space<vmem>>, vector<512x200xi32>
    %and3A = arith.constant 1 : i32
    %and3A_2 = vector.broadcast %and3A : i32 to vector<512x200xi32>
    %and3A_3 = arith.andi %get3A_1, %and3A_2 : vector<512x200xi32>
    %convert_element_type3A = arith.sitofp %and3A_3 : vector<512x200xi32> to vector<512x200xf32>
    %shift_right_arithmetic3A = arith.constant 1 : i32
    %shift_right_arithmetic3A_4 = vector.broadcast %shift_right_arithmetic3A : i32 to vector<512x200xi32>
    %shift_right_arithmetic3A_5 = arith.shrsi %get3A_1, %shift_right_arithmetic3A_4 : vector<512x200xi32>
    %convert_element_type3A_6 = arith.sitofp %shift_right_arithmetic3A_5 : vector<512x200xi32> to vector<512x200xf32>
    %reduce_sum3A = arith.constant dense<0.000000e+00> : vector<512xf32>
    %reduce_sum3A_7 = vector.multi_reduction <add>, %convert_element_type3A, %reduce_sum3A [1] : vector<512x200xf32> to vector<512xf32>
    %broadcast_in_dim3A = vector.shape_cast %reduce_sum3A_7 : vector<512xf32> to vector<512x1xf32>
    %reduce_sum3A_8 = arith.constant dense<0.000000e+00> : vector<512xf32>
    %reduce_sum3A_9 = vector.multi_reduction <add>, %convert_element_type3A_6, %reduce_sum3A_8 [1] : vector<512x200xf32> to vector<512xf32>
    %broadcast_in_dim3A_10 = vector.shape_cast %reduce_sum3A_9 : vector<512xf32> to vector<512x1xf32>
    %mul3A = arith.mulf %convert_element_type3A, %convert_element_type3A_6 : vector<512x200xf32>
    %reduce_sum3A_11 = arith.constant dense<0.000000e+00> : vector<512xf32>
    %reduce_sum3A_12 = vector.multi_reduction <add>, %mul3A, %reduce_sum3A_11 [1] : vector<512x200xf32> to vector<512xf32>
    %broadcast_in_dim3A_13 = vector.shape_cast %reduce_sum3A_12 : vector<512xf32> to vector<512x1xf32>
    %sub3A = arith.subf %broadcast_in_dim3A, %broadcast_in_dim3A_13 : vector<512x1xf32>
    %sub3A_14 = arith.subf %broadcast_in_dim3A_10, %broadcast_in_dim3A_13 : vector<512x1xf32>
    %sub3A_15 = arith.constant 2.000000e+02 : f32
    %sub3A_16 = vector.broadcast %sub3A_15 : f32 to vector<512x1xf32>
    %sub3A_17 = arith.subf %sub3A_16, %sub3A : vector<512x1xf32>
    %sub3A_18 = arith.subf %sub3A_17, %sub3A_14 : vector<512x1xf32>
    %sub3A_19 = arith.subf %sub3A_18, %broadcast_in_dim3A_13 : vector<512x1xf32>
    %get3A_20 = arith.constant 0 : index
    %get3A_21 = arith.constant 0 : index
    %get3A_22 = vector.load %arg2[%get3A_20, %get3A_21] : memref<4x128xf32, #tpu.memory_space<vmem>>, vector<4x128xf32>
    %slice3A = vector.extract_strided_slice %get3A_22 {offsets = [0, 0], sizes = [1, 128], strides = [1, 1]} : vector<4x128xf32> to vector<1x128xf32>
    %squeeze3A = vector.shape_cast %slice3A : vector<1x128xf32> to vector<128xf32>
    %broadcast_in_dim3A_23 = vector.shape_cast %squeeze3A : vector<128xf32> to vector<1x128xf32>
    %mul3A_24 = vector.broadcast %sub3A_19 : vector<512x1xf32> to vector<512x128xf32>
    %mul3A_25 = vector.broadcast %broadcast_in_dim3A_23 : vector<1x128xf32> to vector<512x128xf32>
    %mul3A_26 = arith.mulf %mul3A_24, %mul3A_25 : vector<512x128xf32>
    %slice3A_27 = vector.extract_strided_slice %get3A_22 {offsets = [1, 0], sizes = [1, 128], strides = [1, 1]} : vector<4x128xf32> to vector<1x128xf32>
    %squeeze3A_28 = vector.shape_cast %slice3A_27 : vector<1x128xf32> to vector<128xf32>
    %broadcast_in_dim3A_29 = vector.shape_cast %squeeze3A_28 : vector<128xf32> to vector<1x128xf32>
    %mul3A_30 = vector.broadcast %sub3A : vector<512x1xf32> to vector<512x128xf32>
    %mul3A_31 = vector.broadcast %broadcast_in_dim3A_29 : vector<1x128xf32> to vector<512x128xf32>
    %mul3A_32 = arith.mulf %mul3A_30, %mul3A_31 : vector<512x128xf32>
    %add3A = arith.addf %mul3A_26, %mul3A_32 : vector<512x128xf32>
    %slice3A_33 = vector.extract_strided_slice %get3A_22 {offsets = [2, 0], sizes = [1, 128], strides = [1, 1]} : vector<4x128xf32> to vector<1x128xf32>
    %squeeze3A_34 = vector.shape_cast %slice3A_33 : vector<1x128xf32> to vector<128xf32>
    %broadcast_in_dim3A_35 = vector.shape_cast %squeeze3A_34 : vector<128xf32> to vector<1x128xf32>
    %mul3A_36 = vector.broadcast %sub3A_14 : vector<512x1xf32> to vector<512x128xf32>
    %mul3A_37 = vector.broadcast %broadcast_in_dim3A_35 : vector<1x128xf32> to vector<512x128xf32>
    %mul3A_38 = arith.mulf %mul3A_36, %mul3A_37 : vector<512x128xf32>
    %add3A_39 = arith.addf %add3A, %mul3A_38 : vector<512x128xf32>
    %slice3A_40 = vector.extract_strided_slice %get3A_22 {offsets = [3, 0], sizes = [1, 128], strides = [1, 1]} : vector<4x128xf32> to vector<1x128xf32>
    %squeeze3A_41 = vector.shape_cast %slice3A_40 : vector<1x128xf32> to vector<128xf32>
    %broadcast_in_dim3A_42 = vector.shape_cast %squeeze3A_41 : vector<128xf32> to vector<1x128xf32>
    %mul3A_43 = vector.broadcast %broadcast_in_dim3A_13 : vector<512x1xf32> to vector<512x128xf32>
    %mul3A_44 = vector.broadcast %broadcast_in_dim3A_42 : vector<1x128xf32> to vector<512x128xf32>
    %mul3A_45 = arith.mulf %mul3A_43, %mul3A_44 : vector<512x128xf32>
    %add3A_46 = arith.addf %add3A_39, %mul3A_45 : vector<512x128xf32>
    %mul3A_47 = arith.constant 5.000000e-03 : f32
    %mul3A_48 = vector.broadcast %mul3A_47 : f32 to vector<512x128xf32>
    %mul3A_49 = arith.mulf %add3A_46, %mul3A_48 : vector<512x128xf32>
    %swap3A = arith.constant 0 : index
    %swap3A_50 = arith.constant 0 : index
    %swap3A_51 = vector.load %arg3[%swap3A, %swap3A_50] : memref<512x128xf32, #tpu.memory_space<vmem>>, vector<512x128xf32>
    tpu.vector_store %arg3[%swap3A, %swap3A_50], %mul3A_49 {strides = array<i32>} : memref<512x128xf32, #tpu.memory_space<vmem>>, vector<512x128xf32>,
    return
  }
  func.func @transform_0(%arg0: i32) -> (i32, i32) {
    %c0_i32 = arith.constant 0 : i32
    %c0_i32_0 = arith.constant 0 : i32
    return %arg0, %c0_i32 : i32, i32
  }
  func.func @transform_1(%arg0: i32) -> (i32, i32) {
    %c0_i32 = arith.constant 0 : i32
    %c0_i32_0 = arith.constant 0 : i32
    %c0_i32_1 = arith.constant 0 : i32
    return %c0_i32, %c0_i32_0 : i32, i32
  }
  func.func @transform_2(%arg0: i32) -> (i32, i32) {
    %c0_i32 = arith.constant 0 : i32
    %c0_i32_0 = arith.constant 0 : i32
    return %arg0, %c0_i32 : i32, i32
  }
}

</mosaic_0001>

<sc_bundles>
// kernel: kernel.4.cloned.1.call-start
scs
__scs_entry_jumppad:
0x0: {  	(pc) =	sbr.rel $0x88, $3  }
0x1: {  	(tag) =	ssettag $0x0;
	lr =	simm.s32 $0x1  }
0x2: {  	[smem:$0x3F9F] =	sst lr;
	_ =	strace $0xD0000000  }
0x3: {  	_ = 	snop  }
0x4: {  	_ = 	snop  }
0x5: {  	_ = 	snop  }
0x6: {  	_ = 	snop  }
0x7: {  	_ = 	snop  }
__scs_overlays_trampoline_lowered:
0x8: {  	[smem:$0x3FAE] =	sst s0  }
0x9: {  	[smem:$0x3FAF] =	sst s1  }
0xa: {  	[smem:$0x3FB0] =	sst s2  }
0xb: {  	[smem:$0x3FB1] =	sst s3  }
0xc: {  	[smem:$0x3FB2] =	sst s4  }
0xd: {  	[smem:$0x3FB3] =	sst s5  }
0xe: {  	[smem:$0x3FB4] =	sst s6  }
0xf: {  	[smem:$0x3FB5] =	sst s7  }
0x10: {  	[smem:$0x3FB6] =	sst s8  }
0x11: {  	[smem:$0x3FB7] =	sst s9;
	s0 =	simm.s32 @!p0 $0x0  }
0x12: {  	s1 =	sld [smem:$0x3F9D];
	s0 =	simm.s32 @p0 $0x1  }
0x13: {  	[smem:$0x3FB8] =	sst s0;
	s0 =	simm.s32 @!p1 $0x0  }
0x14: {  	s2 =	sld [smem:$0x3F9C];
	s0 =	simm.s32 @p1 $0x1  }
0x15: {  	[smem:$0x3FB9] =	sst s0;
	s0 =	simm.s32 @!p2 $0x0  }
0x16: {  	s3 =	sld [smem:$0x3FDB];
	s0 =	simm.s32 @p2 $0x1  }
0x17: {  	s4 =	simm.s32 $0x1BF5;
	[smem:$0x3FBB] =	sst s0  }
0x18: {  	s0 =	sld [smem:$0x3F9E];
	_ =	swait.ge [sflag:s4], $0x0  }
0x19: {  	s7 =	sld [smem:$0x3F9F]  }
0x1a: {  	s8 =	sadd.s32 $0xFFFFE003, lr  }
0x1b: {  	s9 =	sadd.s32 $0xFFFFFEF7, lr;
	s5 =	simm.s32 $0xFFFFFFFF;
	p2 =	slt.u32 s8, $0xFFFFF086  }
0x1c: {  	p1 =	slt.u32 s9, $0xF7A;
	s5 =	simm.s32 @!p2 $0x0  }
0x1d: {  	s5 =	simm.s32 @p1 $0x1;
	p0 =	seq.s32 s7, s2  }
0x1e: {  	s7 =	smul.u32 @!p0 $0xF7A, s2;
	p2 =	seq.s32 @!p0 s5, $0x0  }
0x1f: {  	s9 =	smul.u32 $0xF7A, s1;
	s8 =	simm.s32 @!p0 $0x1BF5;
	p2 =	por !p2, p0  }
0x20: {  	[sflag:s8] =	ssyncset.s32 @!p0 $0xFFFFF086;
	s6 =	sadd.s32 @!p0 s3, s7;
	s7 =	simm.s32 @!p0 $0x108  }
0x21: {  	s3 =	sadd.s32 s3, s9;
	s6 =	sadd.s32 @!p0 $0x88, s6;
	s7 =	simm.s32 @p2 $0x1082  }
0x22: {  	[simem:s7], [sflag:s8] =	dma.local @!p0 [hbm:s6], $0xF7A  }
0x23: {  	s9 =	sor.u32 $0xD0000000, s2;
	s6 =	simm.s32 $0x108;
	_ =	swait.ge @!p0 [sflag:s8], $0x0  }
0x24: {  	s3 =	sadd.s32 $0x88, s3;
	s6 =	simm.s32 @!p1 $0x1082;
	[sflag:s4] =	ssyncset.s32 $0xFFFFF086  }
0x25: {  	[simem:s6], [sflag:s4] =	dma.local [hbm:s3], $0xF7A  }
0x26: {  	[smem:$0x3F9F] =	sst s1;
	(tag) =	ssettag s2;
	_ =	strace s9  }
0x27: {  	s1 =	sld [smem:$0x3FAF]  }
0x28: {  	s2 =	sld [smem:$0x3FB0]  }
0x29: {  	s4 =	sld [smem:$0x3FB2]  }
0x2a: {  	p0 =	seq.s32 s5, $0x0;
	s5 =	sld [smem:$0x3FB3]  }
0x2b: {  	s6 =	sld [smem:$0x3FB4]  }
0x2c: {  	s7 =	sld [smem:$0x3FB5]  }
0x2d: {  	s3 =	simm.s32 $0x108;
	s8 =	sld [smem:$0x3FB6]  }
0x2e: {  	s3 =	simm.s32 @!p0 $0x1082;
	s9 =	sld [smem:$0x3FB7]  }
0x2f: {  	lr =	sadd.s32 s0, s3;
	s0 =	sld [smem:$0x3FAE]  }
0x30: {  	s3 =	sld [smem:$0x3FB1]  }
0x31: {  	[smem:$0x3FBA] =	sst s10  }
0x32: {  	s10 =	sld [smem:$0x3FB8];
	_ =	sdelay $0x3  }
0x33: {  	p0 =	seq.s32 s10, $0x1;
	s10 =	sld [smem:$0x3FBA];
	_ =	sdelay $0x3  }
0x34: {  	[smem:$0x3FBA] =	sst s10  }
0x35: {  	s10 =	sld [smem:$0x3FB9];
	_ =	sdelay $0x3  }
0x36: {  	p1 =	seq.s32 s10, $0x1;
	s10 =	sld [smem:$0x3FBA];
	_ =	sdelay $0x3  }
0x37: {  	[smem:$0x3FBA] =	sst s10  }
0x38: {  	s10 =	sld [smem:$0x3FBB]  }
0x39: {  	_ = 	snop;
	(pc) =	sbr.ind lr, $3  }
0x3a: {  	_ = 	snop  }
0x3b: {  	_ = 	snop  }
0x3c: {  	p2 =	seq.s32 s10, $0x1;
	s10 =	sld [smem:$0x3FBA]  }
0x3d: {  	_ =	shalt  }
0x3e: {  	_ =	shalt  }
0x3f: {  	_ =	shalt  }
0x40: {  	_ =	shalt  }
0x41: {  	_ =	shalt  }
0x42: {  	_ =	shalt  }
0x43: {  	_ =	shalt  }
0x44: {  	_ =	shalt  }
0x45: {  	_ =	shalt  }
0x46: {  	_ =	shalt  }
0x47: {  	_ =	shalt  }
0x48: {  	_ =	shalt  }
0x49: {  	_ =	shalt  }
0x4a: {  	_ =	shalt  }
0x4b: {  	_ =	shalt  }
0x4c: {  	_ =	shalt  }
0x4d: {  	_ =	shalt  }
0x4e: {  	_ =	shalt  }
0x4f: {  	_ =	shalt  }
0x50: {  	_ =	shalt  }
0x51: {  	_ =	shalt  }
0x52: {  	_ =	shalt  }
0x53: {  	_ =	shalt  }
0x54: {  	_ =	shalt  }
0x55: {  	_ =	shalt  }
0x56: {  	_ =	shalt  }
0x57: {  	_ =	shalt  }
0x58: {  	_ =	shalt  }
0x59: {  	_ =	shalt  }
0x5a: {  	_ =	shalt  }
0x5b: {  	_ =	shalt  }
0x5c: {  	_ =	shalt  }
0x5d: {  	_ =	shalt  }
0x5e: {  	_ =	shalt  }
0x5f: {  	_ =	shalt  }
0x60: {  	_ =	shalt  }
0x61: {  	_ =	shalt  }
0x62: {  	_ =	shalt  }
0x63: {  	_ =	shalt  }
0x64: {  	_ =	shalt  }
0x65: {  	_ =	shalt  }
0x66: {  	_ =	shalt  }
0x67: {  	_ =	shalt  }
0x68: {  	_ =	shalt  }
0x69: {  	_ =	shalt  }
0x6a: {  	_ =	shalt  }
0x6b: {  	_ =	shalt  }
0x6c: {  	_ =	shalt  }
0x6d: {  	_ =	shalt  }
0x6e: {  	_ =	shalt  }
0x6f: {  	_ =	shalt  }
0x70: {  	_ =	shalt  }
0x71: {  	_ =	shalt  }
0x72: {  	_ =	shalt  }
0x73: {  	_ =	shalt  }
0x74: {  	_ =	shalt  }
0x75: {  	_ =	shalt  }
0x76: {  	_ =	shalt  }
0x77: {  	_ =	shalt  }
0x78: {  	_ =	shalt  }
0x79: {  	_ =	shalt  }
0x7a: {  	_ =	shalt  }
0x7b: {  	_ =	shalt  }
0x7c: {  	_ =	shalt  }
0x7d: {  	_ =	shalt  }
0x7e: {  	_ =	shalt  }
0x7f: {  	_ =	shalt  }
0x80: {  	_ =	shalt  }
0x81: {  	_ =	shalt  }
0x82: {  	_ =	shalt  }
0x83: {  	_ =	shalt  }
0x84: {  	_ =	shalt  }
0x85: {  	_ =	shalt  }
0x86: {  	_ =	shalt  }
0x87: {  	_ =	shalt  }
.Lfunc_end0:
.L_simem_size_0:
called_computation_lowered:
.L_overlay_start_0:
0x88: {  	s2 =	sld [smem:$0x3FD9]  }
0x89: {  	s3 =	sld [smem:$0x3FFE];
	_ =	sdelay $0x1  }
0x8a: {  	s1 =	srdreg.scid  }
0x8b: {  	s0 =	sand.u32 $0x1, s1  }
0x8c: {  	s17 =	sshll.u32 s0, $0xA;
	s2 =	sadd.s32 s3, s2  }
0x8d: {  	s2 =	sadd.s32 s2, s17  }
0x8e: {  	[smem:$0x3FC6] =	sst s2  }
0x8f: {  	_ = 	snop  }
0x90: {  	s2 =	sld [smem:$0x3FC8]  }
0x91: {  	s18 =	sld [smem:$0x3FD0];
	(tm) =	ssettm $0x1  }
0x92: {  	s4 =	sld [smem:$0x3FFB];
	_ =	sdelay $0x3  }
0x93: {  	_ =	strace s4  }
0x94: {  	s4 =	sld [smem:$0x3FFC];
	_ =	sdelay $0x3  }
0x95: {  	_ =	strace s4  }
0x96: {  	s4 =	sld [smem:$0x3FFD];
	_ =	sdelay $0x3  }
0x97: {  	_ =	strace s4  }
0x98: {  	_ =	strace $0x8FFFFFFF  }
0x99: {  	s19 =	sld [smem:$0x3FDB];
	_ =	sdelay $0x1  }
0x9a: {  	s5 =	simm.s32 $_scs_section_size  }
0x9b: {  	s6 =	simm.s32 $_size__tile_overlayer_lowered;
	s7 =	simm.s32 $_tile_overlayer_lowered  }
0x9c: {  	s22 =	simm.s32 $0x1BFF;
	s21 =	sshll.u32 s7, $0x1;
	s4 =	sadd.s32 s5, s19  }
0x9d: {  	s8 =	simm.s32 $0x0;
	s20 =	sshll.u32 s6, $0x1;
	s6 =	sadd.s32 s21, s4  }
0x9e: {  	[timem:s8], [sflag:s22] =	dma.local [hbm:s6], s20  }
0x9f: {  	_ =	swait.ge [sflag:s22], s20  }
0xa0: {  	s5 =	ssub.s32 $0x0, s20;
	[sflag:s22] =	ssyncset.done $0x0  }
0xa1: {  	[sflag:s22] =	ssyncadd.s32 s5;
	_ =	sdelay $0x1  }
0xa2: {  	s23 =	simm.s32 $0x1B8B  }
0xa3: {  	_ =	swait.ge [sflag:s23], $0x1  }
0xa4: {  	[sflag:s23] =	ssyncset.done $0x0  }
0xa5: {  	s25 =	simm.s32 $0x1B8E;
	s24 =	sld [smem:$0x3FFE];
	[sflag:s23] =	ssyncadd.s32 $0xFFFFFFFF  }
0xa6: {  	s26 =	simm.s32 $execute0_lowered;
	[smem:$0x3FD2] =	sst s25  }
0xa7: {  	s6 =	sshll.u32 s26, $0x1;
	_ =	strace $0x80000046;
	[dreg:$0x1] =	wrdreg $0xFFFFFFFF  }
0xa8: {  	s28 =	simm.s32 $_size_execute0_lowered;
	s4 =	sadd.s32 s4, s6;
	[dreg:$0x0] =	wrdreg $0x0  }
0xa9: {  	s6 =	sshll.u32 s28, $0x1;
	[dreg:$0x2] =	wrdreg s4  }
0xaa: {  	[dreg:$0x3] =	wrdreg s6  }
0xab: {  	[dreg:$0x4] =	wrdreg $0xC0  }
0xac: {  	_ =	task [dreg:s8], $0x5FFFF  }
0xad: {  	[dreg:$0x1] =	wrdreg $0xFFFFFFFF  }
0xae: {  	[dreg:$0x0] =	wrdreg $0x60  }
0xaf: {  	[dreg:$0x2] =	wrdreg s18  }
0xb0: {  	[dreg:$0x3] =	wrdreg s2  }
0xb1: {  	[dreg:$0x4] =	wrdreg s24  }
0xb2: {  	[dreg:$0x5] =	wrdreg $0x9  }
0xb3: {  	_ =	task.clear_ibuf [dreg:s8], $0x6FFFF;
	_ =	strace $0x90000046  }
0xb4: {  	s29 =	simm.s32 $0x9;
	_ =	strace $0x80000048  }
0xb5: {  	_ =	swait.ge [sflag:s29], $0x1  }
0xb6: {  	[sflag:s29] =	ssyncadd.s32 $0xFFFFFFFF  }
0xb7: {  	_ =	strace $0x90000048  }
0xb8: {  	_ =	sfence  }
0xb9: {  	s30 =	sld [smem:$0x0];
	_ =	sdelay $0x2  }
0xba: {  	s31 =	sshll.u32 s1, $0xD;
	s1 =	sshrl.u32 s1, $0x2  }
0xbb: {  	s3 =	sand.u32 $0x4000, s31;
	s1 =	sadd.s32 s1, s30  }
0xbc: {  	s0 =	sor.u32 s3, s0;
	s1 =	sshll.u32 s1, $0x11  }
0xbd: {  	s0 =	sor.u32 s1, s0  }
0xbe: {  	s0 =	sadd.s32 $0x8F2B, s0  }
0xbf: {  	[sflag:s0] =	ssyncadd.remote.s32 $0x1  }
0xc0: {  	_ =	sfence.sel $0xFFFF  }
0xc1: {  	[dreg:$0x0] =	wrdreg $0xFFFFFFFF;
	(pc) =	sbr.abs _section_cstart, $3  }
0xc2: {  	[dreg:$0x1] =	wrdreg $0xFFFFFFFF  }
0xc3: {  	_ =	task.clear_ibuf [dreg:s8], $0x2FFFF;
	_ =	strace $0x9FFFFFFF  }
0xc4: {  	(tm) =	ssettm $0x7FFFFFFF  }
0xc5: {  	_ =	shalt  }
tec
execute0_lowered:
.L_overlay_start_1:
0x0: {  	(tag) =	ssettag $0x1  }
0x1: {  	v0 =	vimm.s32 $0x100  }
0x2: {  	vm0 =	vcmask $0x700;
	v2 =	vimm.s32 $0xFEDCBA98;
	v3 =	vimm.s32 $0xEFCDAB89  }
0x3: {  	v4 =	vimm.s32 $0x67452301;
	v5 =	vimm.s32 $0xDCFE98BA;
	v6 =	vimm.s32 $0x54761032  }
0x4: {  	v7 =	vimm.s32 $0xBA98FEDC;
	v8 =	vimm.s32 $0x32107654;
	v0 =	vunpack.c.0.s8.s32 v0  }
0x5: {  	v2 =	vunpack.c.l.s4.s8 v2;
	v3 =	vunpack.c.l.s4.s8 v3;
	v4 =	vunpack.c.l.s4.s8 v4  }
0x6: {  	v5 =	vunpack.c.l.s4.s8 v5;
	v6 =	vunpack.c.l.s4.s8 v6;
	v7 =	vunpack.c.l.s4.s8 v7  }
0x7: {  	v8 =	vunpack.c.l.s4.s8 v8;
	v1 =	vnsel vm0, $0x10101, v0;
	vm0 =	vcmask $0xB08  }
0x8: {  	s4 =	rddreg [dreg:$0x0];
	v3 =	vunpack.c.0.s8.s32 v3;
	v1 =	vsel vm0, $0x100, v1;
	vm0 =	vcmask $0x1710  }
0x9: {  	s0 =	rddreg [dreg:$0x1];
	v4 =	vunpack.c.0.s8.s32 v4;
	v1 =	vsel vm0, v0, v1;
	vm0 =	vcmask $0x1B18  }
0xa: {  	s5 =	rddreg [dreg:$0x2];
	v5 =	vunpack.c.0.s8.s32 v5;
	v1 =	vsel vm0, $0x100, v1;
	vm0 =	vcmask $0x2720  }
0xb: {  	s1 =	rddreg [dreg:$0x3];
	s6 =	srdreg.scid;
	v6 =	vunpack.c.0.s8.s32 v6;
	v1 =	vsel vm0, v0, v1;
	vm0 =	vcmask $0x2B28  }
0xc: {  	s3 =	simm.s32 $0x0;
	s2 =	stileid.u32;
	s6 =	sand.u32 $0x1, s6;
	v7 =	vunpack.c.0.s8.s32 v7;
	v1 =	vsel vm0, $0x100, v1;
	vm0 =	vcmask $0x3730  }
0xd: {  	s10 =	simm.s32 $0x0;
	s7 =	sshll.u32 s2, $0x7;
	s8 =	sshll.u32 s6, $0x6;
	v8 =	vunpack.c.0.s8.s32 v8;
	v0 =	vsel vm0, v0, v1;
	v1 =	vimm.s32 $0x76543210  }
0xe: {  	[smem:$0x7FF] =	sst s3;
	s6 =	ssub.s32 $0x2, s6;
	s7 =	sor.u32 s8, s7;
	v2 =	vunpack.c.0.s8.s32 v2;
	v3 =	vcombine.low v4, v3;
	v1 =	vunpack.c.l.s4.s8 v1  }
0xf: {  	_ =	strace $0x80000047;
	s9 =	sshrl.u32 s6, $0x1;
	s8 =	sshll.u32 s7, $0x4;
	v62 =	vcombine.low v6, v5;
	v63 =	vcombine.low v8, v7  }
0x10: {  	s7 =	sshll.u32 s7, $0x5;
	s6 =	ssub.s32 s6, s9;
	s9 =	simm.s32 $0x4200;
	v2 =	vand.u32 $0xF, v2;
	v58 =	vand.u32 $0xF, v3;
	v1 =	vunpack.c.0.s8.s32 v1  }
0x11: {  	s5 =	sadd.s32 s8, s5;
	s4 =	sadd.s32 s4, s7;
	s6 =	smax.u32 s6, $0x1;
	v59 =	vand.u32 $0xF, v62;
	v60 =	vand.u32 $0xF, v63;
	vm0 =	vcmask $0x3B38  }
0x12: {  	s7 =	simm.s32 $0x1;
	s8 =	simm.s32 $0x4000;
	s5 =	sadd.s32 $0x800, s5;
	v0 =	vsel vm0, $0x100, v0;
	vm0 =	vmmov $0xff;
	v1 =	vcombine.low v2, v1  }
.LBB2_1:
0x13: {  	[tilespmem:s3], [sflag:$0x1] =	stream.linear.gather [hbm4b:s4+s3], $0x4000, $0x38;
	[tilespmem:$0x6200] =	vst v63  }
0x14: {  	_ =	swait.ge [sflag:s7], $0x4000  }
0x15: {  	[sflag:s7] =	ssyncset.done $0x0  }
0x16: {  	[sflag:s7] =	ssyncadd.s32 $0xFFFFC000  }
0x17: {  	[tilespmem:s8], [sflag:$0x1] =	stream.linear.gather [hbm4b:s0+s3], $0x200, $0x38;
	[tilespmem:$0x6200] =	vst v63  }
0x18: {  	_ =	swait.ge [sflag:s7], $0x200  }
0x19: {  	[sflag:s7] =	ssyncset.done $0x0  }
0x1a: {  	[sflag:s7] =	ssyncadd.s32 $0xFFFFFE00  }
0x1b: {  	v5 =	vld [tilespmem:$0x4000]  }
0x1c: {  	v6 =	vld [tilespmem:$0x4010]  }
0x1d: {  	v7 =	vld [tilespmem:$0x4020]  }
0x1e: {  	v2 =	vld [tilespmem:$0x4030]  }
0x1f: {  	v3 =	vld [tilespmem:$0x4040]  }
0x20: {  	v11 =	vld [tilespmem:$0x4050]  }
0x21: {  	v4 =	vld [tilespmem:$0x4060]  }
0x22: {  	v8 =	vld [tilespmem:$0x4070]  }
0x23: {  	v12 =	vld [tilespmem:$0x4080]  }
0x24: {  	v13 =	vld [tilespmem:$0x4090]  }
0x25: {  	v15 =	vld [tilespmem:$0x40A0]  }
0x26: {  	v16 =	vld [tilespmem:$0x40B0]  }
0x27: {  	v17 =	vld [tilespmem:$0x40C0]  }
0x28: {  	v18 =	vld [tilespmem:$0x40D0]  }
0x29: {  	v22 =	vld [tilespmem:$0x40E0]  }
0x2a: {  	v24 =	vld [tilespmem:$0x40F0]  }
0x2b: {  	v25 =	vld [tilespmem:$0x4100]  }
0x2c: {  	v26 =	vld [tilespmem:$0x4110]  }
0x2d: {  	v27 =	vld [tilespmem:$0x4120]  }
0x2e: {  	v28 =	vld [tilespmem:$0x4130]  }
0x2f: {  	s11 =	sand.u32 $0x3800, s3;
	s12 =	sand.u32 $0x300, s3;
	v30 =	vld [tilespmem:$0x4150]  }
0x30: {  	s12 =	sor.u32 s12, s11;
	v32 =	vld [tilespmem:$0x4170]  }
0x31: {  	v37 =	vld [tilespmem:s12+$0x60]  }
0x32: {  	s13 =	sor.u32 $0x440, s12;
	v38 =	vld [tilespmem:s12+$0x40]  }
0x33: {  	v39 =	vld.msk [tilespmem:s13+$0x0], $0xff  }
0x34: {  	v40 =	vld [tilespmem:s12+$0x420]  }
0x35: {  	v42 =	vld [tilespmem:s12+$0x10]  }
0x36: {  	v43 =	vld [tilespmem:s12+$0x20]  }
0x37: {  	v55 =	vld [tilespmem:s12+$0x50]  }
0x38: {  	v44 =	vld [tilespmem:s12+$0x70];
	v12 =	vsub.f32 v12, v5;
	v13 =	vsub.f32 v13, v6  }
0x39: {  	v41 =	vld [tilespmem:s12+$0x400];
	v15 =	vsub.f32 v15, v7;
	v16 =	vsub.f32 v16, v2  }
0x3a: {  	v29 =	vld [tilespmem:$0x4140];
	v49 =	vsub.f32 v17, v3;
	v51 =	vsub.f32 v22, v4;
	v42 =	vperm.xlane v0, v42  }
0x3b: {  	v31 =	vld [tilespmem:$0x4160];
	v22 =	vsub.f32 v30, v11;
	v43 =	vperm.xlane v0, v43;
	v63 =	vperm.xlane v0, v38  }
0x3c: {  	v33 =	vld [tilespmem:$0x4180];
	v30 =	vsub.f32 v32, v8;
	v39 =	vperm.xlane v0, v39;
	v32 =	vperm.xlane v0, v55  }
0x3d: {  	v34 =	vld [tilespmem:$0x4190];
	v50 =	vsub.f32 v18, v11;
	v37 =	vperm.xlane v0, v37;
	v14 =	vperm.xlane v0, v44  }
0x3e: {  	s30 =	simm.s32 $0x80;
	v35 =	vld [tilespmem:$0x41A0];
	v18 =	vsub.f32 v26, v6;
	v48 =	vperm.xlane v0, v40;
	v41 =	vperm.xlane v0, v41  }
0x3f: {  	v56 =	vld [tilespmem:s12+$0x410];
	s13 =	sand.u32 $0x380, s30;
	v52 =	vsub.f32 v25, v5;
	v20 =	vmul.f32 $4.999999890e-03, v12;
	v19 =	vmul.f32 $4.999999890e-03, v13  }
0x40: {  	s11 =	sor.u32 s13, s11;
	v17 =	vld [tilespmem:s12+$0x0];
	v21 =	vmul.f32 $4.999999890e-03, v15;
	v53 =	vmul.f32 $4.999999890e-03, v18;
	v18 =	vsub.f32 v28, v2  }
0x41: {  	v62 =	vld [tilespmem:s11+$0x20];
	v9 =	vmul.f32 $4.999999890e-03, v16;
	v23 =	vmul.f32 $4.999999890e-03, v49;
	v16 =	vsub.f32 v24, v8  }
0x42: {  	v24 =	vmul.f32 $4.999999890e-03, v50;
	v28 =	vmul.f32 $4.999999890e-03, v18;
	v18 =	vsub.f32 v31, v4;
	v31 =	vld [tilespmem:s12+$0x30]  }
0x43: {  	v34 =	vsub.f32 v34, v6;
	v26 =	vmul.f32 $4.999999890e-03, v51;
	v10 =	vmul.f32 $4.999999890e-03, v52;
	v12 =	vld [tilespmem:s11+$0x10]  }
0x44: {  	v13 =	vld [tilespmem:s11+$0x30];
	v39 =	vperm.xlane v39, v1;
	v25 =	vmul.f32 $4.999999890e-03, v16;
	v16 =	vsub.f32 v27, v7  }
0x45: {  	v35 =	vsub.f32 v35, v7;
	v61 =	vmul.f32 $4.999999890e-03, v34;
	v15 =	vld [tilespmem:s11+$0x40];
	v45 =	vperm.xlane v0, v17  }
0x46: {  	v34 =	vperm.xlane v0, v62;
	[tilespmem:$0x1FF20] =	vst v10;
	v10 =	vld [tilespmem:s11+$0x0];
	v50 =	vsel vm0, $0x0, v39;
	v27 =	vmul.f32 $4.999999890e-03, v16  }
0x47: {  	v49 =	vld [tilespmem:s11+$0x50];
	v16 =	vsub.f32 v29, v3;
	v42 =	vadd.s32 v45, v42;
	v47 =	vperm.xlane v0, v31  }
0x48: {  	v46 =	vld [tilespmem:s12+$0x430];
	v29 =	vmul.f32 $4.999999890e-03, v18;
	v18 =	vsub.f32 v33, v5;
	v42 =	vadd.s32 v43, v42  }
0x49: {  	v55 =	vld [tilespmem:s11+$0x400];
	v33 =	vperm.xlane v0, v56;
	v52 =	vperm.xlane v0, v12;
	v42 =	vadd.s32 v47, v42  }
0x4a: {  	v51 =	vld [tilespmem:s11+$0x60];
	v56 =	vperm.xlane v0, v13;
	v31 =	vmul.f32 $4.999999890e-03, v35;
	v35 =	vadd.s32 v63, v42  }
0x4b: {  	[tilespmem:$0x1FF30] =	vst v53;
	v53 =	vld [tilespmem:s11+$0x70];
	v44 =	vperm.xlane v0, v15;
	v38 =	vperm.xlane v0, v10;
	v32 =	vadd.s32 v32, v35  }
0x4c: {  	[tilespmem:$0x1FF60] =	vst v61;
	v61 =	vld [tilespmem:s11+$0x410];
	v62 =	vperm.xlane v0, v49;
	v57 =	vmul.f32 $4.999999890e-03, v18;
	v32 =	vadd.s32 v37, v32  }
0x4d: {  	s31 =	sor.u32 $0x440, s11;
	v12 =	vld [tilespmem:s11+$0x430];
	v54 =	vmul.f32 $4.999999890e-03, v16;
	v38 =	vadd.s32 v38, v52;
	v32 =	vadd.s32 v14, v32  }
0x4e: {  	v15 =	vperm.xlane v0, v55;
	[tilespmem:$0x1FF50] =	vst v57;
	v57 =	vld.msk [tilespmem:s31+$0x0], $0xff;
	v34 =	vadd.s32 v34, v38;
	v32 =	vadd.s32 v41, v32  }
0x4f: {  	[tilespmem:$0x1FF40] =	vst v54;
	v54 =	vperm.xlane v0, v46;
	v63 =	vld [tilespmem:s11+$0x420];
	v32 =	vadd.s32 v33, v32;
	v33 =	vadd.s32 v56, v34  }
0x50: {  	v10 =	vperm.xlane v0, v51;
	v32 =	vadd.s32 v48, v32;
	v33 =	vadd.s32 v44, v33  }
0x51: {  	v14 =	vperm.xlane v0, v53;
	v32 =	vadd.s32 v54, v32;
	v33 =	vadd.s32 v62, v33  }
0x52: {  	v35 =	vperm.xlane v0, v61;
	v32 =	vadd.s32 v50, v32;
	v33 =	vadd.s32 v10, v33  }
0x53: {  	v46 =	vperm.xlane v0, v57;
	v13 =	vperm.xlane v32, v58;
	v33 =	vadd.s32 v14, v33  }
0x54: {  	v36 =	vld [tilespmem:$0x41B0];
	v37 =	vperm.xlane v0, v12;
	v40 =	vperm.xlane v0, v63;
	v33 =	vadd.s32 v15, v33  }
0x55: {  	v45 =	vld [tilespmem:$0x41C0];
	v34 =	vperm.xlane v46, v1;
	v32 =	vadd.s32 v13, v32;
	v33 =	vadd.s32 v35, v33  }
0x56: {  	v49 =	vld [tilespmem:$0x41E0];
	v48 =	vperm.xlane v32, v59;
	v33 =	vadd.s32 v40, v33  }
0x57: {  	v47 =	vld [tilespmem:$0x41D0];
	v34 =	vsel vm0, $0x0, v34;
	v33 =	vadd.s32 v37, v33  }
0x58: {  	v55 =	vld [tilespmem:$0x41F0];
	v32 =	vadd.s32 v48, v32;
	v53 =	vadd.s32 v34, v33  }
0x59: {  	v36 =	vsub.f32 v36, v2;
	v50 =	vperm.xlane v32, v60;
	v57 =	vperm.xlane v53, v58  }
0x5a: {  	v22 =	vmul.f32 $4.999999890e-03, v22;
	v30 =	vmul.f32 $4.999999890e-03, v30;
	v51 =	vsub.f32 v45, v3  }
0x5b: {  	v35 =	vmul.f32 $4.999999890e-03, v36;
	v36 =	vadd.s32 v50, v32;
	v61 =	vadd.s32 v57, v53  }
0x5c: {  	v52 =	vsub.f32 v47, v11;
	v56 =	vperm.xlane v36, v1;
	v39 =	vperm.xlane v61, v59  }
0x5d: {  	v54 =	vsub.f32 v49, v4;
	v40 =	vsub.f32 v55, v8;
	v33 =	vmul.f32 $4.999999890e-03, v51  }
0x5e: {  	v34 =	vmul.f32 $4.999999890e-03, v52;
	v36 =	vadd.s32 v56, v36;
	v38 =	vadd.s32 v39, v61  }
0x5f: {  	v62 =	vshra.s32 v36, $0x10;
	v41 =	vand.u32 $0xFF, v36;
	v10 =	vperm.xlane v38, v60  }
0x60: {  	v36 =	vshrl.u32 v36, $0x8;
	v37 =	vcvt.s32.f32 v62;
	v41 =	vcvt.s32.f32 v41  }
0x61: {  	v32 =	vmul.f32 $4.999999890e-03, v54;
	v63 =	vand.u32 $0xFF, v36;
	v36 =	vmul.f32 $4.999999890e-03, v40  }
0x62: {  	v39 =	vcvt.s32.f32 v63;
	v13 =	vadd.s32 v10, v38;
	v12 =	vsub.f32 v41, v37  }
0x63: {  	v42 =	vperm.xlane v13, v1;
	v63 =	vmul.f32 v37, v36  }
0x64: {  	v14 =	vmul.f32 v12, v20;
	v50 =	vmul.f32 v12, v19  }
0x65: {  	v15 =	vmul.f32 v12, v25;
	v56 =	vmul.f32 v12, v9  }
0x66: {  	v39 =	vsub.f32 v39, v37;
	v41 =	vmul.f32 v12, v23;
	v57 =	vmul.f32 v12, v24  }
0x67: {  	v62 =	vmul.f32 v12, v26;
	v43 =	vmul.f32 v12, v21  }
0x68: {  	[tilespmem:$0x1FF70] =	vst v3;
	v40 =	vadd.s32 v42, v13;
	v49 =	vmul.f32 v39, v27;
	v52 =	vmul.f32 v39, v30  }
0x69: {  	[tilespmem:$0x1FF80] =	vst v5;
	v61 =	vshra.s32 v40, $0x10;
	v48 =	vand.u32 $0xFF, v40;
	v40 =	vshrl.u32 v40, $0x8  }
0x6a: {  	[tilespmem:$0x1FFA0] =	vst v11;
	v45 =	vmul.f32 v39, v22;
	v38 =	vadd.f32 v14, v5;
	v44 =	vadd.f32 v57, v11  }
0x6b: {  	[tilespmem:$0x1FFB0] =	vst v2;
	v46 =	vcvt.s32.f32 v61;
	v53 =	vcvt.s32.f32 v48;
	v51 =	vadd.f32 v56, v2  }
0x6c: {  	[tilespmem:$0x1FFC0] =	vst v4;
	v55 =	vand.u32 $0xFF, v40;
	v40 =	vadd.f32 v62, v4;
	v56 =	vadd.f32 v15, v8  }
0x6d: {  	[tilespmem:$0x1FFD0] =	vst v8;
	v54 =	vadd.f32 v43, v7;
	v57 =	vcvt.s32.f32 v55;
	v47 =	vsub.f32 v53, v46  }
0x6e: {  	[tilespmem:$0x1FFE0] =	vst v7;
	v42 =	vmul.f32 v39, v29;
	v43 =	vadd.f32 v50, v6;
	v52 =	vadd.f32 v52, v56  }
0x6f: {  	s14 =	simm.s32 $0x0;
	[tilespmem:$0x1FFF0] =	vst v6;
	v48 =	vmul.f32 v46, v31;
	v50 =	vsub.f32 v57, v46;
	v55 =	vmul.f32 v47, v21  }
0x70: {  	s13 =	simm.s32 $0x100;
	[tilespmem:$0x1FF90] =	vst v9;
	s12 =	simm.s32 $0x4280;
	s11 =	simm.s32 $0x4280;
	v56 =	vmul.f32 v47, v24;
	v53 =	vadd.f32 v52, v63;
	v52 =	vmul.f32 v47, v23  }
.LBB2_2:
0x71: {  	v11 =	vld [tilespmem:$0x1FFE0]  }
0x72: {  	v15 =	vld [tilespmem:$0x1FFA0]  }
0x73: {  	v13 =	vld [tilespmem:$0x1FFD0]  }
0x74: {  	v57 =	vmul.f32 v39, v28;
	v5 =	vmov v58;
	v58 =	vmul.f32 v47, v26;
	v16 =	vld [tilespmem:$0x1FF20]  }
0x75: {  	v61 =	vmul.f32 v46, v32;
	v62 =	vmul.f32 v47, v20;
	v14 =	vld [tilespmem:$0x1FF30]  }
0x76: {  	v63 =	vmul.f32 v46, v36;
	v8 =	vld [tilespmem:$0x1FF70];
	v10 =	vmul.f32 v50, v27;
	v55 =	vadd.f32 v55, v11  }
0x77: {  	v7 =	vmovc v60;
	v2 =	vmul.f32 v47, v19;
	v60 =	vmul.f32 v46, v35;
	v12 =	vld [tilespmem:$0x1FFF0];
	v49 =	vadd.f32 v49, v54  }
0x78: {  	v9 =	vld [tilespmem:$0x1FFC0];
	[tilespmem:s11+$0xFFFFFFF0] =	vst v53;
	v53 =	vmul.f32 v47, v25;
	v54 =	vmul.f32 v50, v30;
	v55 =	vadd.f32 v10, v55  }
0x79: {  	v6 =	vmul.f32 v50, v29;
	v44 =	vadd.f32 v45, v44;
	v51 =	vadd.f32 v57, v51;
	v10 =	vld [tilespmem:$0x1FF80]  }
0x7a: {  	v56 =	vadd.f32 v56, v15;
	v48 =	vadd.f32 v55, v48;
	v55 =	vmul.f32 v37, v35  }
0x7b: {  	v18 =	vld [tilespmem:$0x1FF50];
	v57 =	vmul.f32 v50, v28;
	v53 =	vadd.f32 v53, v13;
	v52 =	vadd.f32 v52, v8  }
0x7c: {  	v17 =	vld [tilespmem:$0x1FF40];
	v3 =	vmul.f32 v50, v16;
	v2 =	vadd.f32 v2, v12;
	v51 =	vadd.f32 v51, v55  }
0x7d: {  	v4 =	vmul.f32 v50, v14;
	v58 =	vadd.f32 v58, v9;
	v53 =	vadd.f32 v54, v53  }
0x7e: {  	v8 =	vadd.f32 v41, v8;
	v54 =	vmul.f32 v37, v31;
	v62 =	vadd.f32 v62, v10;
	[tilespmem:s11+$0xFFFFFFB0] =	vst v51;
	v51 =	vld [tilespmem:$0x1FF60]  }
0x7f: {  	v2 =	vadd.f32 v4, v2;
	v53 =	vadd.f32 v53, v63;
	v63 =	vmul.f32 v46, v34  }
0x80: {  	v55 =	vmul.f32 v46, v18;
	v3 =	vadd.f32 v3, v62;
	v62 =	vadd.f32 v6, v58;
	v6 =	vld [tilespmem:$0x1FF90]  }
0x81: {  	v49 =	vadd.f32 v49, v54;
	[tilespmem:s11+$0x20] =	vst v48;
	v48 =	vmul.f32 v50, v17;
	v50 =	vmul.f32 v50, v22  }
0x82: {  	v54 =	vmul.f32 v46, v33;
	[tilespmem:s11+$0x70] =	vst v53;
	v58 =	vmov v5;
	v5 =	vld [tilespmem:$0x1FFB0];
	v3 =	vadd.f32 v3, v55  }
0x83: {  	[tilespmem:s11+$0xFFFFFFA0] =	vst v49;
	v49 =	vadd.f32 v62, v61;
	v53 =	vmul.f32 v46, v51;
	v46 =	vadd.f32 v50, v56  }
0x84: {  	v50 =	vmul.f32 v39, v16;
	v56 =	vmul.f32 v39, v14;
	[tilespmem:s11+$0x0] =	vst v3;
	v3 =	vadd.f32 v48, v52  }
0x85: {  	v14 =	vmul.f32 v39, v17;
	v2 =	vadd.f32 v2, v53;
	v53 =	vmul.f32 v47, v6  }
0x86: {  	[tilespmem:s11+$0x60] =	vst v49;
	v46 =	vadd.f32 v46, v63;
	v63 =	vmul.f32 v37, v34;
	v3 =	vadd.f32 v3, v54  }
0x87: {  	v38 =	vadd.f32 v50, v38;
	v54 =	vmul.f32 v37, v18;
	[tilespmem:s11+$0x10] =	vst v2;
	v2 =	vadd.f32 v53, v5  }
0x88: {  	v4 =	vadd.f32 v14, v8;
	v52 =	vadd.f32 v44, v63;
	v53 =	vmul.f32 v37, v33;
	[tilespmem:s11+$0x50] =	vst v46  }
0x89: {  	[tilespmem:s11+$0x40] =	vst v3;
	v3 =	vadd.f32 v38, v54;
	v2 =	vadd.f32 v57, v2  }
0x8a: {  	v61 =	vmul.f32 v37, v32;
	[tilespmem:s11+$0xFFFFFFD0] =	vst v52;
	v4 =	vadd.f32 v4, v53;
	v57 =	vadd.f32 v42, v40  }
0x8b: {  	v55 =	vadd.f32 v56, v43;
	v56 =	vmul.f32 v37, v51;
	[tilespmem:s11+$0xFFFFFF80] =	vst v3;
	v2 =	vadd.f32 v2, v60  }
0x8c: {  	[tilespmem:s11+$0xFFFFFFC0] =	vst v4;
	v3 =	vadd.f32 v57, v61  }
0x8d: {  	s14 =	sadd.s32 $0x200, s14;
	s15 =	smov.u32 s13;
	[tilespmem:s11+$0x30] =	vst v2;
	v2 =	vadd.f32 v55, v56  }
0x8e: {  	s16 =	sand.u32 $0x3800, s14;
	s17 =	sand.u32 $0x300, s15;
	[tilespmem:s11+$0xFFFFFFE0] =	vst v3  }
0x8f: {  	s17 =	sor.u32 s17, s16;
	[tilespmem:s11+$0xFFFFFF90] =	vst v2  }
0x90: {  	v2 =	vld [tilespmem:s17+$0x60]  }
0x91: {  	v3 =	vld [tilespmem:s17+$0x0]  }
0x92: {  	s18 =	sor.u32 $0x440, s17;
	v4 =	vld [tilespmem:s17+$0x40]  }
0x93: {  	v62 =	vld.msk [tilespmem:s18+$0x0], $0xff  }
0x94: {  	v63 =	vld [tilespmem:s17+$0x420]  }
0x95: {  	v39 =	vld [tilespmem:s17+$0x400]  }
0x96: {  	v8 =	vld [tilespmem:s17+$0x10]  }
0x97: {  	v14 =	vld [tilespmem:s17+$0x30]  }
0x98: {  	v52 =	vld [tilespmem:s17+$0x20]  }
0x99: {  	v53 =	vld [tilespmem:s17+$0x50]  }
0x9a: {  	s15 =	sadd.s32 $0x80, s15;
	v54 =	vld [tilespmem:s17+$0x410]  }
0x9b: {  	s15 =	sand.u32 $0x380, s15;
	v55 =	vld [tilespmem:s17+$0x70]  }
0x9c: {  	s15 =	sor.u32 s15, s16;
	v46 =	vld [tilespmem:s17+$0x430];
	v40 =	vperm.xlane v0, v8;
	v3 =	vperm.xlane v0, v3  }
0x9d: {  	v57 =	vld [tilespmem:s15+$0x0];
	v42 =	vperm.xlane v0, v52  }
0x9e: {  	v56 =	vld [tilespmem:s15+$0x20];
	v41 =	vperm.xlane v0, v14;
	v3 =	vadd.s32 v3, v40  }
0x9f: {  	v61 =	vld [tilespmem:s15+$0x10];
	v38 =	vperm.xlane v0, v63;
	v4 =	vperm.xlane v0, v4;
	v3 =	vadd.s32 v42, v3  }
0xa0: {  	v51 =	vld [tilespmem:s15+$0x60];
	v37 =	vperm.xlane v0, v62;
	v43 =	vperm.xlane v0, v53;
	v3 =	vadd.s32 v41, v3  }
0xa1: {  	v45 =	vperm.xlane v0, v55;
	v62 =	vld [tilespmem:s15+$0x30];
	v2 =	vperm.xlane v0, v2;
	v3 =	vadd.s32 v4, v3  }
0xa2: {  	v46 =	vperm.xlane v0, v46;
	v63 =	vld [tilespmem:s15+$0x40];
	v8 =	vperm.xlane v0, v57;
	v3 =	vadd.s32 v43, v3  }
0xa3: {  	v14 =	vld [tilespmem:s15+$0x50];
	v39 =	vperm.xlane v0, v39;
	v37 =	vperm.xlane v37, v1;
	v2 =	vadd.s32 v2, v3  }
0xa4: {  	v44 =	vperm.xlane v0, v54;
	v52 =	vld [tilespmem:s15+$0x70];
	v3 =	vperm.xlane v0, v61;
	v2 =	vadd.s32 v45, v2  }
0xa5: {  	v47 =	vperm.xlane v0, v56;
	v54 =	vld [tilespmem:s15+$0x400];
	v37 =	vsel vm0, $0x0, v37;
	v2 =	vadd.s32 v39, v2  }
0xa6: {  	s16 =	sor.u32 $0x440, s15;
	v42 =	vld [tilespmem:s15+$0x410];
	v53 =	vperm.xlane v0, v62;
	v3 =	vadd.s32 v8, v3;
	v2 =	vadd.s32 v44, v2  }
0xa7: {  	v55 =	vld.msk [tilespmem:s16+$0x0], $0xff;
	v4 =	vperm.xlane v0, v63;
	v3 =	vadd.s32 v47, v3;
	v2 =	vadd.s32 v38, v2  }
0xa8: {  	v57 =	vld [tilespmem:s15+$0x420];
	v56 =	vperm.xlane v0, v14;
	v3 =	vadd.s32 v53, v3;
	v2 =	vadd.s32 v46, v2  }
0xa9: {  	v62 =	vld [tilespmem:s15+$0x430];
	v61 =	vperm.xlane v0, v51;
	v3 =	vadd.s32 v4, v3;
	v2 =	vadd.s32 v37, v2  }
0xaa: {  	v63 =	vperm.xlane v0, v52;
	v3 =	vadd.s32 v56, v3;
	v37 =	vperm.xlane v2, v58  }
0xab: {  	v14 =	vperm.xlane v0, v42;
	v8 =	vperm.xlane v0, v54;
	v3 =	vadd.s32 v61, v3  }
0xac: {  	v45 =	vperm.xlane v0, v55;
	v3 =	vadd.s32 v63, v3;
	v2 =	vadd.s32 v37, v2  }
0xad: {  	v46 =	vperm.xlane v0, v57;
	v3 =	vadd.s32 v8, v3;
	v37 =	vperm.xlane v2, v59  }
0xae: {  	v47 =	vperm.xlane v45, v1;
	v48 =	vperm.xlane v0, v62;
	v3 =	vadd.s32 v14, v3  }
0xaf: {  	v3 =	vadd.s32 v46, v3;
	v2 =	vadd.s32 v37, v2  }
0xb0: {  	v49 =	vsel vm0, $0x0, v47;
	v3 =	vadd.s32 v48, v3;
	v50 =	vperm.xlane v2, v7  }
0xb1: {  	v3 =	vadd.s32 v49, v3  }
0xb2: {  	v37 =	vperm.xlane v3, v58;
	v2 =	vadd.s32 v50, v2  }
0xb3: {  	v51 =	vperm.xlane v2, v1  }
0xb4: {  	v3 =	vadd.s32 v37, v3  }
0xb5: {  	v52 =	vperm.xlane v3, v59;
	v2 =	vadd.s32 v51, v2  }
0xb6: {  	v53 =	vshra.s32 v2, $0x10;
	v54 =	vand.u32 $0xFF, v2  }
0xb7: {  	v3 =	vadd.s32 v52, v3;
	v37 =	vcvt.s32.f32 v53;
	v38 =	vcvt.s32.f32 v54  }
0xb8: {  	v2 =	vshrl.u32 v2, $0x8;
	v4 =	vperm.xlane v3, v7  }
0xb9: {  	v2 =	vand.u32 $0xFF, v2;
	v55 =	vsub.f32 v38, v37  }
0xba: {  	v2 =	vcvt.s32.f32 v2;
	v3 =	vadd.s32 v4, v3  }
0xbb: {  	v63 =	vperm.xlane v3, v1;
	v62 =	vmul.f32 v55, v20  }
0xbc: {  	v39 =	vsub.f32 v2, v37;
	v43 =	vmul.f32 v55, v19;
	v2 =	vmul.f32 v55, v25  }
0xbd: {  	v8 =	vmul.f32 v55, v6;
	v41 =	vmul.f32 v55, v23  }
0xbe: {  	v61 =	vmul.f32 v55, v26;
	v49 =	vmul.f32 v39, v27  }
0xbf: {  	v14 =	vmul.f32 v39, v30;
	v45 =	vmul.f32 v39, v22  }
0xc0: {  	v3 =	vadd.s32 v63, v3;
	v42 =	vmul.f32 v39, v29;
	v63 =	vmul.f32 v37, v36  }
0xc1: {  	v38 =	vadd.f32 v62, v10;
	v10 =	vmul.f32 v55, v24;
	v56 =	vshra.s32 v3, $0x10  }
0xc2: {  	v57 =	vand.u32 $0xFF, v3;
	v62 =	vmul.f32 v55, v21;
	v51 =	vadd.f32 v8, v5  }
0xc3: {  	p0 =	sne.s32 s13, $0x1F00;
	v2 =	vadd.f32 v2, v13;
	v46 =	vcvt.s32.f32 v56;
	v47 =	vcvt.s32.f32 v57  }
.Ltmp0:
0xc4: {  	v3 =	vshrl.u32 v3, $0x8;
	v40 =	vadd.f32 v61, v9;
	v43 =	vadd.f32 v43, v12;
	(pc) =	sbr.rel @p0 .LBB2_2-.Ltmp0, $4  }
0xc5: {  	v3 =	vand.u32 $0xFF, v3;
	v2 =	vadd.f32 v14, v2;
	v47 =	vsub.f32 v47, v46  }
0xc6: {  	v44 =	vadd.f32 v10, v15;
	v54 =	vadd.f32 v62, v11;
	v3 =	vcvt.s32.f32 v3  }
0xc7: {  	s12 =	sadd.s32 $0x100, s12;
	v48 =	vmul.f32 v46, v31;
	v53 =	vadd.f32 v2, v63;
	v55 =	vmul.f32 v47, v21  }
0xc8: {  	s13 =	sadd.s32 $0x100, s13;
	v60 =	vmovc v7;
	s11 =	smov.u32 s12;
	v50 =	vsub.f32 v3, v46;
	v56 =	vmul.f32 v47, v24;
	v52 =	vmul.f32 v47, v23  }
0xc9: {  	v4 =	vld [tilespmem:$0x1FFA0]  }
0xca: {  	v5 =	vld [tilespmem:$0x1FFE0]  }
0xcb: {  	v62 =	vld [tilespmem:$0x1FFD0]  }
0xcc: {  	v12 =	vld [tilespmem:$0x1FF20]  }
0xcd: {  	v2 =	vmul.f32 v39, v28;
	v13 =	vld [tilespmem:$0x1FF30]  }
0xce: {  	v3 =	vmul.f32 v47, v26;
	v14 =	vmul.f32 v47, v25;
	v6 =	vld [tilespmem:$0x1FF80]  }
0xcf: {  	v20 =	vmul.f32 v47, v20;
	v63 =	vmul.f32 v46, v36;
	v15 =	vld [tilespmem:$0x1FF40]  }
0xd0: {  	v23 =	vadd.f32 v49, v54;
	v19 =	vmul.f32 v47, v19;
	v49 =	vmul.f32 v37, v31;
	v31 =	vld [tilespmem:$0x1FFC0]  }
0xd1: {  	v26 =	vmul.f32 v46, v35;
	v21 =	vmul.f32 v50, v30;
	v4 =	vadd.f32 v56, v4;
	v56 =	vld [tilespmem:$0x1FFF0]  }
0xd2: {  	v24 =	vmul.f32 v50, v28;
	v25 =	vmul.f32 v50, v29;
	v2 =	vadd.f32 v2, v51;
	v51 =	vld [tilespmem:$0x1FF70]  }
0xd3: {  	v17 =	vld [tilespmem:$0x1FF60];
	v61 =	vmul.f32 v50, v27;
	v27 =	vmul.f32 v46, v32  }
0xd4: {  	v16 =	vld [tilespmem:$0x1FF50];
	v10 =	vadd.f32 v55, v5;
	v11 =	vadd.f32 v14, v62;
	v28 =	vmul.f32 v50, v12  }
0xd5: {  	v36 =	vmul.f32 v50, v13;
	v8 =	vadd.f32 v20, v6;
	v3 =	vadd.f32 v3, v31  }
0xd6: {  	v55 =	vmul.f32 v37, v35;
	v10 =	vadd.f32 v61, v10;
	v9 =	vadd.f32 v19, v56  }
0xd7: {  	v57 =	vmul.f32 v50, v15;
	v11 =	vadd.f32 v21, v11;
	v54 =	vadd.f32 v52, v51  }
0xd8: {  	v35 =	vmul.f32 v46, v17;
	v2 =	vadd.f32 v2, v55;
	v7 =	vadd.f32 v36, v9  }
0xd9: {  	v62 =	vmul.f32 v46, v16;
	v21 =	vadd.f32 v23, v49;
	v11 =	vadd.f32 v11, v63  }
0xda: {  	v63 =	vmul.f32 v46, v34;
	[tilespmem:s11+$0xFFFFFFB0] =	vst v2;
	v36 =	vmul.f32 v46, v33;
	v46 =	vld [tilespmem:$0x1FF90];
	v2 =	vadd.f32 v7, v35  }
0xdb: {  	[tilespmem:s11+$0xFFFFFFF0] =	vst v53;
	v61 =	vmul.f32 v50, v22;
	v8 =	vadd.f32 v28, v8;
	v3 =	vadd.f32 v25, v3  }
0xdc: {  	v49 =	vadd.f32 v45, v44;
	v50 =	vmul.f32 v37, v34;
	v10 =	vadd.f32 v10, v48;
	[tilespmem:s11+$0x10] =	vst v2;
	v2 =	vld [tilespmem:$0x1FFB0]  }
0xdd: {  	v5 =	vadd.f32 v41, v51;
	v51 =	vmul.f32 v39, v15;
	v4 =	vadd.f32 v61, v4;
	[tilespmem:s11+$0xFFFFFFA0] =	vst v21  }
0xde: {  	v48 =	vmul.f32 v39, v12;
	v8 =	vadd.f32 v8, v62;
	v3 =	vadd.f32 v3, v27;
	[tilespmem:s11+$0x20] =	vst v10  }
0xdf: {  	v52 =	vadd.f32 v57, v54;
	[tilespmem:s11+$0x70] =	vst v11;
	v4 =	vadd.f32 v4, v63;
	v47 =	vmul.f32 v47, v46  }
0xe0: {  	v54 =	vmul.f32 v37, v33;
	v11 =	vadd.f32 v49, v50;
	[tilespmem:s11+$0x60] =	vst v3;
	v3 =	vadd.f32 v51, v5  }
0xe1: {  	v57 =	vmul.f32 v37, v16;
	[tilespmem:s11+$0x0] =	vst v8;
	v56 =	vadd.f32 v48, v38;
	v2 =	vadd.f32 v47, v2  }
0xe2: {  	[tilespmem:s11+$0x50] =	vst v4;
	v3 =	vadd.f32 v3, v54  }
0xe3: {  	v53 =	vmul.f32 v39, v13;
	[tilespmem:s11+$0xFFFFFFD0] =	vst v11;
	v4 =	vadd.f32 v56, v57;
	v2 =	vadd.f32 v24, v2  }
0xe4: {  	v62 =	vadd.f32 v42, v40;
	v63 =	vmul.f32 v37, v32;
	v55 =	vadd.f32 v52, v36;
	[tilespmem:s11+$0xFFFFFFC0] =	vst v3  }
0xe5: {  	v61 =	vmul.f32 v37, v17;
	v8 =	vadd.f32 v53, v43;
	[tilespmem:s11+$0xFFFFFF80] =	vst v4;
	v2 =	vadd.f32 v2, v26  }
0xe6: {  	v3 =	vadd.f32 v62, v63;
	[tilespmem:s11+$0x40] =	vst v55  }
0xe7: {  	s10 =	sadd.s32 $0x1, s10;
	[tilespmem:s11+$0x30] =	vst v2;
	v2 =	vadd.f32 v8, v61  }
0xe8: {  	p0 =	sne.s32 s10, s6;
	[tilespmem:s11+$0xFFFFFFE0] =	vst v3  }
.Ltmp1:
0xe9: {  	[tilespmem:s11+$0xFFFFFF90] =	vst v2;
	(pc) =	sbr.rel @p0 .LBB2_1-.Ltmp1, $4  }
0xea: {  	[hbm4b:s5+s3] =	stream.linear.scatter [tilespmem:s9], [sflag:$0x1], $0x2000, $0x38;
	[tilespmem:$0x6200] =	vst v63  }
0xeb: {  	_ =	swait.ge [sflag:s7], $0x2000  }
0xec: {  	[sflag:s7] =	ssyncset.done $0x0  }
0xed: {  	[sflag:s7] =	ssyncadd.s32 $0xFFFFE000  }
0xee: {  	_ =	sfence.sel $0x180000  }
0xef: {  	[bflag:$0x0] =	sbarrier.arrive $0xFFFF  }
0xf0: {  	p0 =	sne.s32 s2, $0x0;
	_ =	strace $0x90000047  }
0xf1: {  	s0 =	sadd.s32 @!p0 $0x100000, s1;
	[bflag:$0x2] =	sbarrier.arrive $0xFFFF  }
0xf2: {  	[sflag:s0] =	ssyncadd.tile.s32 @!p0 $0x1;
	_ =	shalt  }
.Lfunc_end2:
_tile_overlayer_lowered:
.L_overlay_start_2:
0xf3: {  	(tag) =	ssettag $0x2  }
0xf4: {  	s0 =	rddreg [dreg:$0x0];
	s2 =	stileid.u32  }
0xf5: {  	s1 =	rddreg [dreg:$0x1];
	p0 =	sne.s32 s2, $0x0  }
0xf6: {  	s3 =	rddreg [dreg:$0x2];
	[bflag:$0x3] =	sbarrier.arrive $0xFFFF;
	s2 =	simm.s32 @!p0 $0x1C01  }
0xf7: {  	[timem:s3], [sflag:s2] =	dma.local @!p0 [hbm:s0], s1  }
0xf8: {  	s0 =	simm.s32 @!p0 $0x1  }
0xf9: {  	_ =	swait.ge @!p0 [sflag:s0], s1  }
0xfa: {  	s1 =	ssub.s32 @!p0 $0x0, s1;
	[sflag:s0] =	ssyncset.done @!p0 $0x0  }
0xfb: {  	[sflag:s0] =	ssyncadd.s32 @!p0 s1  }
0xfc: {  	[bflag:$0x3] =	sbarrier.arrive $0xFFFF  }
0xfd: {  	_ =	shalt  }

</sc_bundles>
